<compile_context>
chip_gen: v7x
topology: tpu7x:2x2x1
jax: 0.10.2.dev20260603
libtpu: 0.0.44.dev20260713+nightly
codegen_flags: <defaults>
</compile_context>

<pallas_src>
import functools

import jax
import jax.numpy as jnp
from jax import lax
from jax.experimental import pallas as pl
from jax.experimental.pallas import tpu as pltpu
from jax.experimental.pallas import tpu_sc as plsc

_NC = 2
_NS = 16
_NW = _NC * _NS

_B = 4096 * 50
_D = 128
_BPW = _B // _NW
_CHUNK = 128
_NCHUNK = _BPW // _CHUNK
_LEAD = 3
_NBUF = 2 * _LEAD
_LOOP_END = _LEAD + _NBUF * ((_NCHUNK - 2 * _LEAD) // _NBUF)


@functools.partial(
    pl.kernel,
    out_type=jax.ShapeDtypeStruct((_B, _D), jnp.float32),
    mesh=plsc.VectorSubcoreMesh(
        core_axis_name="c", subcore_axis_name="s",
        num_cores=_NC, num_subcores=_NS),
    scratch_types=[
        pltpu.VMEM((_BPW,), jnp.int32),
        pltpu.VMEM((_NBUF, _CHUNK, _D), jnp.float32),
        pltpu.SemaphoreType.DMA,
        pltpu.SemaphoreType.DMA,
    ],
)
def _gather_kernel(table_hbm, idx_hbm, out_hbm, idx_v, rows_v, gsem, wsem):
    wid = lax.axis_index("s") * _NC + lax.axis_index("c")
    base = wid * _BPW
    pltpu.sync_copy(idx_hbm.at[pl.ds(base, _BPW)], idx_v)

    def g_desc(j, b):
        off = pl.multiple_of(j * _CHUNK, 8)
        return pltpu.make_async_copy(
            table_hbm.at[idx_v.at[pl.ds(off, _CHUNK)]], rows_v.at[b], gsem)

    def w_desc(j, b):
        off = pl.multiple_of(j * _CHUNK, 8)
        return pltpu.make_async_copy(
            rows_v.at[b], out_hbm.at[pl.ds(base + off, _CHUNK)], wsem)

    for jj in range(_LEAD):
        g_desc(jj, jj).start()
    for jj in range(_LEAD):
        g_desc(jj, jj).wait()
        w_desc(jj, jj).start()
        g_desc(jj + _LEAD, jj + _LEAD).start()

    @pl.loop(_LEAD, _LOOP_END, step=_NBUF)
    def _steady(j):
        for i in range(_NBUF):
            jj = j + i
            b = (_LEAD + i) % _NBUF
            bn = (b + _LEAD) % _NBUF
            g_desc(jj, b).wait()
            w_desc(jj, b).start()
            w_desc(jj - _LEAD, bn).wait()
            g_desc(jj + _LEAD, bn).start()

    for jj in range(_LOOP_END, _NCHUNK - _LEAD):
        b = jj % _NBUF
        bn = (b + _LEAD) % _NBUF
        g_desc(jj, b).wait()
        w_desc(jj, b).start()
        w_desc(jj - _LEAD, bn).wait()
        g_desc(jj + _LEAD, bn).start()
    for jj in range(_NCHUNK - _LEAD, _NCHUNK):
        b = jj % _NBUF
        g_desc(jj, b).wait()
        w_desc(jj, b).start()
        w_desc(jj - _LEAD, (b + _LEAD) % _NBUF).wait()
    for jj in range(_NCHUNK - _LEAD, _NCHUNK):
        w_desc(jj, jj % _NBUF).wait()


def kernel(class_embed_weight, indices):
    n_img, k = indices.shape
    idx_flat = jnp.transpose(indices).reshape(-1).astype(jnp.int32)
    out_flat = _gather_kernel(class_embed_weight, idx_flat)
    return out_flat.reshape(k, n_img, _D).transpose(1, 0, 2)

# --- scband reference (transcript-rebuilt; emitter-appended) ---
"""Pipeline reference for scband-class-dictionary-47648367181893 (READ-ONLY COPY).

The authoritative reference and input builder live on the scoring server;
editing this copy changes nothing except your own understanding.
"""

import jax, jax.numpy as jnp
import numpy as np

NUM_CLASSES = 100000
DICT_DIM = 128

def setup_inputs(seed: int = 0) -> dict:
    key = jax.random.key(seed)
    k1, k2 = jax.random.split(key)
    indices = jax.random.randint(k1, (4096, 50), 0, NUM_CLASSES, dtype=jnp.int64 if jax.config.jax_enable_x64 else jnp.int32)
    # trunc_normal_(std=0.02): approximate with truncated normal in [-2, 2] scaled by std
    table = jax.random.truncated_normal(k2, -2.0, 2.0, (NUM_CLASSES, DICT_DIM), dtype=jnp.float32) * 0.02
    return {"class_embed_weight": table, "indices": indices}

def reference(class_embed_weight, indices):
    # nn.Embedding forward: gather rows of the table by indices
    return jnp.take(class_embed_weight, indices, axis=0)

if __name__ == "__main__":
    import jax
    _d = setup_inputs()
    print(jax.jit(kernel)(*tuple(_d.values())))

</pallas_src>

<mosaic_0001>
#map = affine_map<(d0, d1) -> (0, 0)>
#map1 = affine_map<(d0, d1) -> (0)>
module attributes {stable_mosaic.version = 14 : i64} {
  func.func @_gather_kernel(%arg0: i32, %arg1: i32, %arg2: memref<100000x128xf32, #tpu.memory_space<hbm>>, %arg3: memref<204800xi32, #tpu.memory_space<hbm>>, %arg4: memref<204800x128xf32, #tpu.memory_space<hbm>>, %arg5: memref<6400xi32, #tpu.memory_space<vmem>>, %arg6: memref<6x128x128xf32, #tpu.memory_space<vmem>>, %arg7: memref<!tpu.dma_semaphore, #tpu.memory_space<semaphore_mem>>, %arg8: memref<!tpu.dma_semaphore, #tpu.memory_space<semaphore_mem>>) attributes {dimension_semantics = [#tpu.dimension_semantics<core_parallel>, #tpu.dimension_semantics<subcore_parallel>], iteration_bounds = array<i64: 2, 16>, scalar_prefetch = 0 : i64, scratch_operands = 4 : i64, tpu.core_type = #tpu.core_type<sc_vector_subcore>, window_params = [{transform_indices = #map}, {transform_indices = #map1}, {transform_indices = #map}]} {
    %mul3A = arith.constant 2 : i32
    %mul3A_0 = arith.muli %arg1, %mul3A : i32
    %add3A = arith.addi %mul3A_0, %arg0 : i32
    %mul3A_1 = arith.constant 6400 : i32
    %mul3A_2 = arith.muli %add3A, %mul3A_1 : i32
    "tpu.region"() ({
      %run_scoped3A = tpu.sem_alloc : memref<!tpu.dma_semaphore, #tpu.memory_space<semaphore_mem>>
      %dma_start3A_436 = tpu.memref_slice %arg3[%mul3A_2] : memref<204800xi32, #tpu.memory_space<hbm>> -> memref<6400xi32, #tpu.memory_space<hbm>>
      %dma_start3A_437 = tpu.memref_slice %arg3[%mul3A_2] : memref<204800xi32, #tpu.memory_space<hbm>> -> memref<6400xi32, #tpu.memory_space<hbm>>
      tpu.enqueue_dma source(%dma_start3A_437 : memref<6400xi32, #tpu.memory_space<hbm>>) target(%arg5 : memref<6400xi32, #tpu.memory_space<vmem>>) target_semaphore(%run_scoped3A : memref<!tpu.dma_semaphore, #tpu.memory_space<semaphore_mem>>)
      %dma_wait3A_438 = tpu.memref_slice %arg3[%mul3A_2] : memref<204800xi32, #tpu.memory_space<hbm>> -> memref<6400xi32, #tpu.memory_space<hbm>>
      %dma_wait3A_439 = tpu.memref_slice %arg3[%mul3A_2] : memref<204800xi32, #tpu.memory_space<hbm>> -> memref<6400xi32, #tpu.memory_space<hbm>>
      tpu.wait_dma2 semaphore(%run_scoped3A : memref<!tpu.dma_semaphore, #tpu.memory_space<semaphore_mem>>) src(%dma_wait3A_439 : memref<6400xi32, #tpu.memory_space<hbm>>) dst(%arg5 : memref<6400xi32, #tpu.memory_space<vmem>>)
      tpu.yield
    }) : () -> ()
    %multiple_of3A = arith.constant 0 : i32
    %multiple_of3A_3 = tpu.assume_multiple %multiple_of3A, 8 : i32
    %dma_start3A = arith.constant 0 : i32
    %dma_start3A_4 = arith.constant 0 : i32
    %dma_start3A_5 = arith.constant 0 : i32
    %dma_start3A_6 = tpu.memref_slice %arg6[%dma_start3A, %dma_start3A_4, %dma_start3A_5] : memref<6x128x128xf32, #tpu.memory_space<vmem>> -> memref<1x128x128xf32, #tpu.memory_space<vmem>>
    %dma_start3A_7 = tpu.memref_squeeze %dma_start3A_6 : memref<1x128x128xf32, #tpu.memory_space<vmem>> -> memref<128x128xf32, #tpu.memory_space<vmem>>
    %dma_start3A_8 = tpu.memref_slice %arg5[%multiple_of3A_3] : memref<6400xi32, #tpu.memory_space<vmem>> -> memref<128xi32, #tpu.memory_space<vmem>>
    %dma_start3A_9 = arith.constant 0 : i32
    %dma_start3A_10 = arith.constant 0 : i32
    %dma_start3A_11 = tpu.memref_slice %arg2[%dma_start3A_9, %dma_start3A_10] : memref<100000x128xf32, #tpu.memory_space<hbm>> -> memref<100000x128xf32, #tpu.memory_space<hbm>>
    tpu.enqueue_indirect_dma source(%dma_start3A_11 : memref<100000x128xf32, #tpu.memory_space<hbm>>) target(%dma_start3A_7 : memref<128x128xf32, #tpu.memory_space<vmem>>) offsets(%dma_start3A_8 : memref<128xi32, #tpu.memory_space<vmem>>) semaphore(%arg7 : memref<!tpu.dma_semaphore, #tpu.memory_space<semaphore_mem>>)
    %multiple_of3A_12 = arith.constant 128 : i32
    %multiple_of3A_13 = tpu.assume_multiple %multiple_of3A_12, 8 : i32
    %dma_start3A_14 = arith.constant 1 : i32
    %dma_start3A_15 = arith.constant 0 : i32
    %dma_start3A_16 = arith.constant 0 : i32
    %dma_start3A_17 = tpu.memref_slice %arg6[%dma_start3A_14, %dma_start3A_15, %dma_start3A_16] : memref<6x128x128xf32, #tpu.memory_space<vmem>> -> memref<1x128x128xf32, #tpu.memory_space<vmem>>
    %dma_start3A_18 = tpu.memref_squeeze %dma_start3A_17 : memref<1x128x128xf32, #tpu.memory_space<vmem>> -> memref<128x128xf32, #tpu.memory_space<vmem>>
    %dma_start3A_19 = tpu.memref_slice %arg5[%multiple_of3A_13] : memref<6400xi32, #tpu.memory_space<vmem>> -> memref<128xi32, #tpu.memory_space<vmem>>
    %dma_start3A_20 = arith.constant 0 : i32
    %dma_start3A_21 = arith.constant 0 : i32
    %dma_start3A_22 = tpu.memref_slice %arg2[%dma_start3A_20, %dma_start3A_21] : memref<100000x128xf32, #tpu.memory_space<hbm>> -> memref<100000x128xf32, #tpu.memory_space<hbm>>
    tpu.enqueue_indirect_dma source(%dma_start3A_22 : memref<100000x128xf32, #tpu.memory_space<hbm>>) target(%dma_start3A_18 : memref<128x128xf32, #tpu.memory_space<vmem>>) offsets(%dma_start3A_19 : memref<128xi32, #tpu.memory_space<vmem>>) semaphore(%arg7 : memref<!tpu.dma_semaphore, #tpu.memory_space<semaphore_mem>>)
    %multiple_of3A_23 = arith.constant 256 : i32
    %multiple_of3A_24 = tpu.assume_multiple %multiple_of3A_23, 8 : i32
    %dma_start3A_25 = arith.constant 2 : i32
    %dma_start3A_26 = arith.constant 0 : i32
    %dma_start3A_27 = arith.constant 0 : i32
    %dma_start3A_28 = tpu.memref_slice %arg6[%dma_start3A_25, %dma_start3A_26, %dma_start3A_27] : memref<6x128x128xf32, #tpu.memory_space<vmem>> -> memref<1x128x128xf32, #tpu.memory_space<vmem>>
    %dma_start3A_29 = tpu.memref_squeeze %dma_start3A_28 : memref<1x128x128xf32, #tpu.memory_space<vmem>> -> memref<128x128xf32, #tpu.memory_space<vmem>>
    %dma_start3A_30 = tpu.memref_slice %arg5[%multiple_of3A_24] : memref<6400xi32, #tpu.memory_space<vmem>> -> memref<128xi32, #tpu.memory_space<vmem>>
    %dma_start3A_31 = arith.constant 0 : i32
    %dma_start3A_32 = arith.constant 0 : i32
    %dma_start3A_33 = tpu.memref_slice %arg2[%dma_start3A_31, %dma_start3A_32] : memref<100000x128xf32, #tpu.memory_space<hbm>> -> memref<100000x128xf32, #tpu.memory_space<hbm>>
    tpu.enqueue_indirect_dma source(%dma_start3A_33 : memref<100000x128xf32, #tpu.memory_space<hbm>>) target(%dma_start3A_29 : memref<128x128xf32, #tpu.memory_space<vmem>>) offsets(%dma_start3A_30 : memref<128xi32, #tpu.memory_space<vmem>>) semaphore(%arg7 : memref<!tpu.dma_semaphore, #tpu.memory_space<semaphore_mem>>)
    %multiple_of3A_34 = arith.constant 0 : i32
    %multiple_of3A_35 = tpu.assume_multiple %multiple_of3A_34, 8 : i32
    %dma_wait3A = arith.constant 0 : i32
    %dma_wait3A_36 = arith.constant 0 : i32
    %dma_wait3A_37 = arith.constant 0 : i32
    %dma_wait3A_38 = tpu.memref_slice %arg6[%dma_wait3A, %dma_wait3A_36, %dma_wait3A_37] : memref<6x128x128xf32, #tpu.memory_space<vmem>> -> memref<1x128x128xf32, #tpu.memory_space<vmem>>
    %dma_wait3A_39 = tpu.memref_squeeze %dma_wait3A_38 : memref<1x128x128xf32, #tpu.memory_space<vmem>> -> memref<128x128xf32, #tpu.memory_space<vmem>>
    %dma_wait3A_40 = tpu.memref_slice %arg5[%multiple_of3A_35] : memref<6400xi32, #tpu.memory_space<vmem>> -> memref<128xi32, #tpu.memory_space<vmem>>
    %dma_wait3A_41 = arith.constant 0 : i32
    %dma_wait3A_42 = arith.constant 0 : i32
    %dma_wait3A_43 = tpu.memref_slice %arg2[%dma_wait3A_41, %dma_wait3A_42] : memref<100000x128xf32, #tpu.memory_space<hbm>> -> memref<100000x128xf32, #tpu.memory_space<hbm>>
    tpu.wait_indirect_dma semaphore(%arg7 : memref<!tpu.dma_semaphore, #tpu.memory_space<semaphore_mem>>) src(%dma_wait3A_43 : memref<100000x128xf32, #tpu.memory_space<hbm>>) dst(%dma_wait3A_39 : memref<128x128xf32, #tpu.memory_space<vmem>>)
    %multiple_of3A_44 = arith.constant 0 : i32
    %multiple_of3A_45 = tpu.assume_multiple %multiple_of3A_44, 8 : i32
    %add3A_46 = arith.addi %mul3A_2, %multiple_of3A_45 : i32
    %dma_start3A_47 = arith.constant 0 : i32
    %dma_start3A_48 = arith.constant 0 : i32
    %dma_start3A_49 = arith.constant 0 : i32
    %dma_start3A_50 = tpu.memref_slice %arg6[%dma_start3A_47, %dma_start3A_48, %dma_start3A_49] : memref<6x128x128xf32, #tpu.memory_space<vmem>> -> memref<1x128x128xf32, #tpu.memory_space<vmem>>
    %dma_start3A_51 = tpu.memref_squeeze %dma_start3A_50 : memref<1x128x128xf32, #tpu.memory_space<vmem>> -> memref<128x128xf32, #tpu.memory_space<vmem>>
    %dma_start3A_52 = arith.constant 0 : i32
    %dma_start3A_53 = tpu.memref_slice %arg4[%add3A_46, %dma_start3A_52] : memref<204800x128xf32, #tpu.memory_space<hbm>> -> memref<128x128xf32, #tpu.memory_space<hbm>>
    %dma_start3A_54 = arith.constant 0 : i32
    %dma_start3A_55 = tpu.memref_slice %arg4[%add3A_46, %dma_start3A_54] : memref<204800x128xf32, #tpu.memory_space<hbm>> -> memref<128x128xf32, #tpu.memory_space<hbm>>
    %dma_start3A_56 = arith.constant 0 : i32
    %dma_start3A_57 = arith.constant 0 : i32
    %dma_start3A_58 = tpu.memref_slice %arg6[%dma_start3A_47, %dma_start3A_56, %dma_start3A_57] : memref<6x128x128xf32, #tpu.memory_space<vmem>> -> memref<1x128x128xf32, #tpu.memory_space<vmem>>
    %dma_start3A_59 = tpu.memref_squeeze %dma_start3A_58 : memref<1x128x128xf32, #tpu.memory_space<vmem>> -> memref<128x128xf32, #tpu.memory_space<vmem>>
    tpu.enqueue_dma source(%dma_start3A_59 : memref<128x128xf32, #tpu.memory_space<vmem>>) target(%dma_start3A_55 : memref<128x128xf32, #tpu.memory_space<hbm>>) target_semaphore(%arg8 : memref<!tpu.dma_semaphore, #tpu.memory_space<semaphore_mem>>)
    %multiple_of3A_60 = arith.constant 384 : i32
    %multiple_of3A_61 = tpu.assume_multiple %multiple_of3A_60, 8 : i32
    %dma_start3A_62 = arith.constant 3 : i32
    %dma_start3A_63 = arith.constant 0 : i32
    %dma_start3A_64 = arith.constant 0 : i32
    %dma_start3A_65 = tpu.memref_slice %arg6[%dma_start3A_62, %dma_start3A_63, %dma_start3A_64] : memref<6x128x128xf32, #tpu.memory_space<vmem>> -> memref<1x128x128xf32, #tpu.memory_space<vmem>>
    %dma_start3A_66 = tpu.memref_squeeze %dma_start3A_65 : memref<1x128x128xf32, #tpu.memory_space<vmem>> -> memref<128x128xf32, #tpu.memory_space<vmem>>
    %dma_start3A_67 = tpu.memref_slice %arg5[%multiple_of3A_61] : memref<6400xi32, #tpu.memory_space<vmem>> -> memref<128xi32, #tpu.memory_space<vmem>>
    %dma_start3A_68 = arith.constant 0 : i32
    %dma_start3A_69 = arith.constant 0 : i32
    %dma_start3A_70 = tpu.memref_slice %arg2[%dma_start3A_68, %dma_start3A_69] : memref<100000x128xf32, #tpu.memory_space<hbm>> -> memref<100000x128xf32, #tpu.memory_space<hbm>>
    tpu.enqueue_indirect_dma source(%dma_start3A_70 : memref<100000x128xf32, #tpu.memory_space<hbm>>) target(%dma_start3A_66 : memref<128x128xf32, #tpu.memory_space<vmem>>) offsets(%dma_start3A_67 : memref<128xi32, #tpu.memory_space<vmem>>) semaphore(%arg7 : memref<!tpu.dma_semaphore, #tpu.memory_space<semaphore_mem>>)
    %multiple_of3A_71 = arith.constant 128 : i32
    %multiple_of3A_72 = tpu.assume_multiple %multiple_of3A_71, 8 : i32
    %dma_wait3A_73 = arith.constant 1 : i32
    %dma_wait3A_74 = arith.constant 0 : i32
    %dma_wait3A_75 = arith.constant 0 : i32
    %dma_wait3A_76 = tpu.memref_slice %arg6[%dma_wait3A_73, %dma_wait3A_74, %dma_wait3A_75] : memref<6x128x128xf32, #tpu.memory_space<vmem>> -> memref<1x128x128xf32, #tpu.memory_space<vmem>>
    %dma_wait3A_77 = tpu.memref_squeeze %dma_wait3A_76 : memref<1x128x128xf32, #tpu.memory_space<vmem>> -> memref<128x128xf32, #tpu.memory_space<vmem>>
    %dma_wait3A_78 = tpu.memref_slice %arg5[%multiple_of3A_72] : memref<6400xi32, #tpu.memory_space<vmem>> -> memref<128xi32, #tpu.memory_space<vmem>>
    %dma_wait3A_79 = arith.constant 0 : i32
    %dma_wait3A_80 = arith.constant 0 : i32
    %dma_wait3A_81 = tpu.memref_slice %arg2[%dma_wait3A_79, %dma_wait3A_80] : memref<100000x128xf32, #tpu.memory_space<hbm>> -> memref<100000x128xf32, #tpu.memory_space<hbm>>
    tpu.wait_indirect_dma semaphore(%arg7 : memref<!tpu.dma_semaphore, #tpu.memory_space<semaphore_mem>>) src(%dma_wait3A_81 : memref<100000x128xf32, #tpu.memory_space<hbm>>) dst(%dma_wait3A_77 : memref<128x128xf32, #tpu.memory_space<vmem>>)
    %multiple_of3A_82 = arith.constant 128 : i32
    %multiple_of3A_83 = tpu.assume_multiple %multiple_of3A_82, 8 : i32
    %add3A_84 = arith.addi %mul3A_2, %multiple_of3A_83 : i32
    %dma_start3A_85 = arith.constant 1 : i32
    %dma_start3A_86 = arith.constant 0 : i32
    %dma_start3A_87 = arith.constant 0 : i32
    %dma_start3A_88 = tpu.memref_slice %arg6[%dma_start3A_85, %dma_start3A_86, %dma_start3A_87] : memref<6x128x128xf32, #tpu.memory_space<vmem>> -> memref<1x128x128xf32, #tpu.memory_space<vmem>>
    %dma_start3A_89 = tpu.memref_squeeze %dma_start3A_88 : memref<1x128x128xf32, #tpu.memory_space<vmem>> -> memref<128x128xf32, #tpu.memory_space<vmem>>
    %dma_start3A_90 = arith.constant 0 : i32
    %dma_start3A_91 = tpu.memref_slice %arg4[%add3A_84, %dma_start3A_90] : memref<204800x128xf32, #tpu.memory_space<hbm>> -> memref<128x128xf32, #tpu.memory_space<hbm>>
    %dma_start3A_92 = arith.constant 0 : i32
    %dma_start3A_93 = tpu.memref_slice %arg4[%add3A_84, %dma_start3A_92] : memref<204800x128xf32, #tpu.memory_space<hbm>> -> memref<128x128xf32, #tpu.memory_space<hbm>>
    %dma_start3A_94 = arith.constant 0 : i32
    %dma_start3A_95 = arith.constant 0 : i32
    %dma_start3A_96 = tpu.memref_slice %arg6[%dma_start3A_85, %dma_start3A_94, %dma_start3A_95] : memref<6x128x128xf32, #tpu.memory_space<vmem>> -> memref<1x128x128xf32, #tpu.memory_space<vmem>>
    %dma_start3A_97 = tpu.memref_squeeze %dma_start3A_96 : memref<1x128x128xf32, #tpu.memory_space<vmem>> -> memref<128x128xf32, #tpu.memory_space<vmem>>
    tpu.enqueue_dma source(%dma_start3A_97 : memref<128x128xf32, #tpu.memory_space<vmem>>) target(%dma_start3A_93 : memref<128x128xf32, #tpu.memory_space<hbm>>) target_semaphore(%arg8 : memref<!tpu.dma_semaphore, #tpu.memory_space<semaphore_mem>>)
    %multiple_of3A_98 = arith.constant 512 : i32
    %multiple_of3A_99 = tpu.assume_multiple %multiple_of3A_98, 8 : i32
    %dma_start3A_100 = arith.constant 4 : i32
    %dma_start3A_101 = arith.constant 0 : i32
    %dma_start3A_102 = arith.constant 0 : i32
    %dma_start3A_103 = tpu.memref_slice %arg6[%dma_start3A_100, %dma_start3A_101, %dma_start3A_102] : memref<6x128x128xf32, #tpu.memory_space<vmem>> -> memref<1x128x128xf32, #tpu.memory_space<vmem>>
    %dma_start3A_104 = tpu.memref_squeeze %dma_start3A_103 : memref<1x128x128xf32, #tpu.memory_space<vmem>> -> memref<128x128xf32, #tpu.memory_space<vmem>>
    %dma_start3A_105 = tpu.memref_slice %arg5[%multiple_of3A_99] : memref<6400xi32, #tpu.memory_space<vmem>> -> memref<128xi32, #tpu.memory_space<vmem>>
    %dma_start3A_106 = arith.constant 0 : i32
    %dma_start3A_107 = arith.constant 0 : i32
    %dma_start3A_108 = tpu.memref_slice %arg2[%dma_start3A_106, %dma_start3A_107] : memref<100000x128xf32, #tpu.memory_space<hbm>> -> memref<100000x128xf32, #tpu.memory_space<hbm>>
    tpu.enqueue_indirect_dma source(%dma_start3A_108 : memref<100000x128xf32, #tpu.memory_space<hbm>>) target(%dma_start3A_104 : memref<128x128xf32, #tpu.memory_space<vmem>>) offsets(%dma_start3A_105 : memref<128xi32, #tpu.memory_space<vmem>>) semaphore(%arg7 : memref<!tpu.dma_semaphore, #tpu.memory_space<semaphore_mem>>)
    %multiple_of3A_109 = arith.constant 256 : i32
    %multiple_of3A_110 = tpu.assume_multiple %multiple_of3A_109, 8 : i32
    %dma_wait3A_111 = arith.constant 2 : i32
    %dma_wait3A_112 = arith.constant 0 : i32
    %dma_wait3A_113 = arith.constant 0 : i32
    %dma_wait3A_114 = tpu.memref_slice %arg6[%dma_wait3A_111, %dma_wait3A_112, %dma_wait3A_113] : memref<6x128x128xf32, #tpu.memory_space<vmem>> -> memref<1x128x128xf32, #tpu.memory_space<vmem>>
    %dma_wait3A_115 = tpu.memref_squeeze %dma_wait3A_114 : memref<1x128x128xf32, #tpu.memory_space<vmem>> -> memref<128x128xf32, #tpu.memory_space<vmem>>
    %dma_wait3A_116 = tpu.memref_slice %arg5[%multiple_of3A_110] : memref<6400xi32, #tpu.memory_space<vmem>> -> memref<128xi32, #tpu.memory_space<vmem>>
    %dma_wait3A_117 = arith.constant 0 : i32
    %dma_wait3A_118 = arith.constant 0 : i32
    %dma_wait3A_119 = tpu.memref_slice %arg2[%dma_wait3A_117, %dma_wait3A_118] : memref<100000x128xf32, #tpu.memory_space<hbm>> -> memref<100000x128xf32, #tpu.memory_space<hbm>>
    tpu.wait_indirect_dma semaphore(%arg7 : memref<!tpu.dma_semaphore, #tpu.memory_space<semaphore_mem>>) src(%dma_wait3A_119 : memref<100000x128xf32, #tpu.memory_space<hbm>>) dst(%dma_wait3A_115 : memref<128x128xf32, #tpu.memory_space<vmem>>)
    %multiple_of3A_120 = arith.constant 256 : i32
    %multiple_of3A_121 = tpu.assume_multiple %multiple_of3A_120, 8 : i32
    %add3A_122 = arith.addi %mul3A_2, %multiple_of3A_121 : i32
    %dma_start3A_123 = arith.constant 2 : i32
    %dma_start3A_124 = arith.constant 0 : i32
    %dma_start3A_125 = arith.constant 0 : i32
    %dma_start3A_126 = tpu.memref_slice %arg6[%dma_start3A_123, %dma_start3A_124, %dma_start3A_125] : memref<6x128x128xf32, #tpu.memory_space<vmem>> -> memref<1x128x128xf32, #tpu.memory_space<vmem>>
    %dma_start3A_127 = tpu.memref_squeeze %dma_start3A_126 : memref<1x128x128xf32, #tpu.memory_space<vmem>> -> memref<128x128xf32, #tpu.memory_space<vmem>>
    %dma_start3A_128 = arith.constant 0 : i32
    %dma_start3A_129 = tpu.memref_slice %arg4[%add3A_122, %dma_start3A_128] : memref<204800x128xf32, #tpu.memory_space<hbm>> -> memref<128x128xf32, #tpu.memory_space<hbm>>
    %dma_start3A_130 = arith.constant 0 : i32
    %dma_start3A_131 = tpu.memref_slice %arg4[%add3A_122, %dma_start3A_130] : memref<204800x128xf32, #tpu.memory_space<hbm>> -> memref<128x128xf32, #tpu.memory_space<hbm>>
    %dma_start3A_132 = arith.constant 0 : i32
    %dma_start3A_133 = arith.constant 0 : i32
    %dma_start3A_134 = tpu.memref_slice %arg6[%dma_start3A_123, %dma_start3A_132, %dma_start3A_133] : memref<6x128x128xf32, #tpu.memory_space<vmem>> -> memref<1x128x128xf32, #tpu.memory_space<vmem>>
    %dma_start3A_135 = tpu.memref_squeeze %dma_start3A_134 : memref<1x128x128xf32, #tpu.memory_space<vmem>> -> memref<128x128xf32, #tpu.memory_space<vmem>>
    tpu.enqueue_dma source(%dma_start3A_135 : memref<128x128xf32, #tpu.memory_space<vmem>>) target(%dma_start3A_131 : memref<128x128xf32, #tpu.memory_space<hbm>>) target_semaphore(%arg8 : memref<!tpu.dma_semaphore, #tpu.memory_space<semaphore_mem>>)
    %multiple_of3A_136 = arith.constant 640 : i32
    %multiple_of3A_137 = tpu.assume_multiple %multiple_of3A_136, 8 : i32
    %dma_start3A_138 = arith.constant 5 : i32
    %dma_start3A_139 = arith.constant 0 : i32
    %dma_start3A_140 = arith.constant 0 : i32
    %dma_start3A_141 = tpu.memref_slice %arg6[%dma_start3A_138, %dma_start3A_139, %dma_start3A_140] : memref<6x128x128xf32, #tpu.memory_space<vmem>> -> memref<1x128x128xf32, #tpu.memory_space<vmem>>
    %dma_start3A_142 = tpu.memref_squeeze %dma_start3A_141 : memref<1x128x128xf32, #tpu.memory_space<vmem>> -> memref<128x128xf32, #tpu.memory_space<vmem>>
    %dma_start3A_143 = tpu.memref_slice %arg5[%multiple_of3A_137] : memref<6400xi32, #tpu.memory_space<vmem>> -> memref<128xi32, #tpu.memory_space<vmem>>
    %dma_start3A_144 = arith.constant 0 : i32
    %dma_start3A_145 = arith.constant 0 : i32
    %dma_start3A_146 = tpu.memref_slice %arg2[%dma_start3A_144, %dma_start3A_145] : memref<100000x128xf32, #tpu.memory_space<hbm>> -> memref<100000x128xf32, #tpu.memory_space<hbm>>
    tpu.enqueue_indirect_dma source(%dma_start3A_146 : memref<100000x128xf32, #tpu.memory_space<hbm>>) target(%dma_start3A_142 : memref<128x128xf32, #tpu.memory_space<vmem>>) offsets(%dma_start3A_143 : memref<128xi32, #tpu.memory_space<vmem>>) semaphore(%arg7 : memref<!tpu.dma_semaphore, #tpu.memory_space<semaphore_mem>>)
    %scan3A = arith.constant 0 : i32
    %scan3A_147 = arith.constant 7 : i32
    %scan3A_148 = arith.addi %scan3A, %scan3A_147 : i32
    %scan3A_149 = arith.constant 1 : i32
    scf.for %scan3A_436 = %scan3A to %scan3A_148 step %scan3A_149  : i32 {
      %mul3A_437 = arith.constant 6 : i32
      %mul3A_438 = arith.muli %scan3A_436, %mul3A_437 : i32
      %add3A_439 = arith.constant 3 : i32
      %add3A_440 = arith.addi %add3A_439, %mul3A_438 : i32
      %add3A_441 = arith.constant 0 : i32
      %add3A_442 = arith.addi %add3A_440, %add3A_441 : i32
      %mul3A_443 = arith.constant 128 : i32
      %mul3A_444 = arith.muli %add3A_442, %mul3A_443 : i32
      %multiple_of3A_445 = tpu.assume_multiple %mul3A_444, 8 : i32
      %dma_wait3A_446 = arith.constant 3 : i32
      %dma_wait3A_447 = arith.constant 0 : i32
      %dma_wait3A_448 = arith.constant 0 : i32
      %dma_wait3A_449 = tpu.memref_slice %arg6[%dma_wait3A_446, %dma_wait3A_447, %dma_wait3A_448] : memref<6x128x128xf32, #tpu.memory_space<vmem>> -> memref<1x128x128xf32, #tpu.memory_space<vmem>>
      %dma_wait3A_450 = tpu.memref_squeeze %dma_wait3A_449 : memref<1x128x128xf32, #tpu.memory_space<vmem>> -> memref<128x128xf32, #tpu.memory_space<vmem>>
      %dma_wait3A_451 = tpu.memref_slice %arg5[%multiple_of3A_445] : memref<6400xi32, #tpu.memory_space<vmem>> -> memref<128xi32, #tpu.memory_space<vmem>>
      %dma_wait3A_452 = arith.constant 0 : i32
      %dma_wait3A_453 = arith.constant 0 : i32
      %dma_wait3A_454 = tpu.memref_slice %arg2[%dma_wait3A_452, %dma_wait3A_453] : memref<100000x128xf32, #tpu.memory_space<hbm>> -> memref<100000x128xf32, #tpu.memory_space<hbm>>
      tpu.wait_indirect_dma semaphore(%arg7 : memref<!tpu.dma_semaphore, #tpu.memory_space<semaphore_mem>>) src(%dma_wait3A_454 : memref<100000x128xf32, #tpu.memory_space<hbm>>) dst(%dma_wait3A_450 : memref<128x128xf32, #tpu.memory_space<vmem>>)
      %mul3A_455 = arith.constant 128 : i32
      %mul3A_456 = arith.muli %add3A_442, %mul3A_455 : i32
      %multiple_of3A_457 = tpu.assume_multiple %mul3A_456, 8 : i32
      %add3A_458 = arith.addi %mul3A_2, %multiple_of3A_457 : i32
      %dma_start3A_459 = arith.constant 3 : i32
      %dma_start3A_460 = arith.constant 0 : i32
      %dma_start3A_461 = arith.constant 0 : i32
      %dma_start3A_462 = tpu.memref_slice %arg6[%dma_start3A_459, %dma_start3A_460, %dma_start3A_461] : memref<6x128x128xf32, #tpu.memory_space<vmem>> -> memref<1x128x128xf32, #tpu.memory_space<vmem>>
      %dma_start3A_463 = tpu.memref_squeeze %dma_start3A_462 : memref<1x128x128xf32, #tpu.memory_space<vmem>> -> memref<128x128xf32, #tpu.memory_space<vmem>>
      %dma_start3A_464 = arith.constant 0 : i32
      %dma_start3A_465 = tpu.memref_slice %arg4[%add3A_458, %dma_start3A_464] : memref<204800x128xf32, #tpu.memory_space<hbm>> -> memref<128x128xf32, #tpu.memory_space<hbm>>
      %dma_start3A_466 = arith.constant 0 : i32
      %dma_start3A_467 = tpu.memref_slice %arg4[%add3A_458, %dma_start3A_466] : memref<204800x128xf32, #tpu.memory_space<hbm>> -> memref<128x128xf32, #tpu.memory_space<hbm>>
      %dma_start3A_468 = arith.constant 0 : i32
      %dma_start3A_469 = arith.constant 0 : i32
      %dma_start3A_470 = tpu.memref_slice %arg6[%dma_start3A_459, %dma_start3A_468, %dma_start3A_469] : memref<6x128x128xf32, #tpu.memory_space<vmem>> -> memref<1x128x128xf32, #tpu.memory_space<vmem>>
      %dma_start3A_471 = tpu.memref_squeeze %dma_start3A_470 : memref<1x128x128xf32, #tpu.memory_space<vmem>> -> memref<128x128xf32, #tpu.memory_space<vmem>>
      tpu.enqueue_dma source(%dma_start3A_471 : memref<128x128xf32, #tpu.memory_space<vmem>>) target(%dma_start3A_467 : memref<128x128xf32, #tpu.memory_space<hbm>>) target_semaphore(%arg8 : memref<!tpu.dma_semaphore, #tpu.memory_space<semaphore_mem>>)
      %sub3A = arith.constant 3 : i32
      %sub3A_472 = arith.subi %add3A_442, %sub3A : i32
      %mul3A_473 = arith.constant 128 : i32
      %mul3A_474 = arith.muli %sub3A_472, %mul3A_473 : i32
      %multiple_of3A_475 = tpu.assume_multiple %mul3A_474, 8 : i32
      %add3A_476 = arith.addi %mul3A_2, %multiple_of3A_475 : i32
      %dma_wait3A_477 = arith.constant 0 : i32
      %dma_wait3A_478 = arith.constant 0 : i32
      %dma_wait3A_479 = arith.constant 0 : i32
      %dma_wait3A_480 = tpu.memref_slice %arg6[%dma_wait3A_477, %dma_wait3A_478, %dma_wait3A_479] : memref<6x128x128xf32, #tpu.memory_space<vmem>> -> memref<1x128x128xf32, #tpu.memory_space<vmem>>
      %dma_wait3A_481 = tpu.memref_squeeze %dma_wait3A_480 : memref<1x128x128xf32, #tpu.memory_space<vmem>> -> memref<128x128xf32, #tpu.memory_space<vmem>>
      %dma_wait3A_482 = arith.constant 0 : i32
      %dma_wait3A_483 = tpu.memref_slice %arg4[%add3A_476, %dma_wait3A_482] : memref<204800x128xf32, #tpu.memory_space<hbm>> -> memref<128x128xf32, #tpu.memory_space<hbm>>
      %dma_wait3A_484 = arith.constant 0 : i32
      %dma_wait3A_485 = tpu.memref_slice %arg4[%add3A_476, %dma_wait3A_484] : memref<204800x128xf32, #tpu.memory_space<hbm>> -> memref<128x128xf32, #tpu.memory_space<hbm>>
      %dma_wait3A_486 = arith.constant 0 : i32
      %dma_wait3A_487 = arith.constant 0 : i32
      %dma_wait3A_488 = tpu.memref_slice %arg6[%dma_wait3A_477, %dma_wait3A_486, %dma_wait3A_487] : memref<6x128x128xf32, #tpu.memory_space<vmem>> -> memref<1x128x128xf32, #tpu.memory_space<vmem>>
      %dma_wait3A_489 = tpu.memref_squeeze %dma_wait3A_488 : memref<1x128x128xf32, #tpu.memory_space<vmem>> -> memref<128x128xf32, #tpu.memory_space<vmem>>
      tpu.wait_dma2 semaphore(%arg8 : memref<!tpu.dma_semaphore, #tpu.memory_space<semaphore_mem>>) src(%dma_wait3A_489 : memref<128x128xf32, #tpu.memory_space<vmem>>) dst(%dma_wait3A_485 : memref<128x128xf32, #tpu.memory_space<hbm>>)
      %add3A_490 = arith.constant 3 : i32
      %add3A_491 = arith.addi %add3A_442, %add3A_490 : i32
      %mul3A_492 = arith.constant 128 : i32
      %mul3A_493 = arith.muli %add3A_491, %mul3A_492 : i32
      %multiple_of3A_494 = tpu.assume_multiple %mul3A_493, 8 : i32
      %dma_start3A_495 = arith.constant 0 : i32
      %dma_start3A_496 = arith.constant 0 : i32
      %dma_start3A_497 = arith.constant 0 : i32
      %dma_start3A_498 = tpu.memref_slice %arg6[%dma_start3A_495, %dma_start3A_496, %dma_start3A_497] : memref<6x128x128xf32, #tpu.memory_space<vmem>> -> memref<1x128x128xf32, #tpu.memory_space<vmem>>
      %dma_start3A_499 = tpu.memref_squeeze %dma_start3A_498 : memref<1x128x128xf32, #tpu.memory_space<vmem>> -> memref<128x128xf32, #tpu.memory_space<vmem>>
      %dma_start3A_500 = tpu.memref_slice %arg5[%multiple_of3A_494] : memref<6400xi32, #tpu.memory_space<vmem>> -> memref<128xi32, #tpu.memory_space<vmem>>
      %dma_start3A_501 = arith.constant 0 : i32
      %dma_start3A_502 = arith.constant 0 : i32
      %dma_start3A_503 = tpu.memref_slice %arg2[%dma_start3A_501, %dma_start3A_502] : memref<100000x128xf32, #tpu.memory_space<hbm>> -> memref<100000x128xf32, #tpu.memory_space<hbm>>
      tpu.enqueue_indirect_dma source(%dma_start3A_503 : memref<100000x128xf32, #tpu.memory_space<hbm>>) target(%dma_start3A_499 : memref<128x128xf32, #tpu.memory_space<vmem>>) offsets(%dma_start3A_500 : memref<128xi32, #tpu.memory_space<vmem>>) semaphore(%arg7 : memref<!tpu.dma_semaphore, #tpu.memory_space<semaphore_mem>>)
      %add3A_504 = arith.constant 1 : i32
      %add3A_505 = arith.addi %add3A_440, %add3A_504 : i32
      %mul3A_506 = arith.constant 128 : i32
      %mul3A_507 = arith.muli %add3A_505, %mul3A_506 : i32
      %multiple_of3A_508 = tpu.assume_multiple %mul3A_507, 8 : i32
      %dma_wait3A_509 = arith.constant 4 : i32
      %dma_wait3A_510 = arith.constant 0 : i32
      %dma_wait3A_511 = arith.constant 0 : i32
      %dma_wait3A_512 = tpu.memref_slice %arg6[%dma_wait3A_509, %dma_wait3A_510, %dma_wait3A_511] : memref<6x128x128xf32, #tpu.memory_space<vmem>> -> memref<1x128x128xf32, #tpu.memory_space<vmem>>
      %dma_wait3A_513 = tpu.memref_squeeze %dma_wait3A_512 : memref<1x128x128xf32, #tpu.memory_space<vmem>> -> memref<128x128xf32, #tpu.memory_space<vmem>>
      %dma_wait3A_514 = tpu.memref_slice %arg5[%multiple_of3A_508] : memref<6400xi32, #tpu.memory_space<vmem>> -> memref<128xi32, #tpu.memory_space<vmem>>
      %dma_wait3A_515 = arith.constant 0 : i32
      %dma_wait3A_516 = arith.constant 0 : i32
      %dma_wait3A_517 = tpu.memref_slice %arg2[%dma_wait3A_515, %dma_wait3A_516] : memref<100000x128xf32, #tpu.memory_space<hbm>> -> memref<100000x128xf32, #tpu.memory_space<hbm>>
      tpu.wait_indirect_dma semaphore(%arg7 : memref<!tpu.dma_semaphore, #tpu.memory_space<semaphore_mem>>) src(%dma_wait3A_517 : memref<100000x128xf32, #tpu.memory_space<hbm>>) dst(%dma_wait3A_513 : memref<128x128xf32, #tpu.memory_space<vmem>>)
      %mul3A_518 = arith.constant 128 : i32
      %mul3A_519 = arith.muli %add3A_505, %mul3A_518 : i32
      %multiple_of3A_520 = tpu.assume_multiple %mul3A_519, 8 : i32
      %add3A_521 = arith.addi %mul3A_2, %multiple_of3A_520 : i32
      %dma_start3A_522 = arith.constant 4 : i32
      %dma_start3A_523 = arith.constant 0 : i32
      %dma_start3A_524 = arith.constant 0 : i32
      %dma_start3A_525 = tpu.memref_slice %arg6[%dma_start3A_522, %dma_start3A_523, %dma_start3A_524] : memref<6x128x128xf32, #tpu.memory_space<vmem>> -> memref<1x128x128xf32, #tpu.memory_space<vmem>>
      %dma_start3A_526 = tpu.memref_squeeze %dma_start3A_525 : memref<1x128x128xf32, #tpu.memory_space<vmem>> -> memref<128x128xf32, #tpu.memory_space<vmem>>
      %dma_start3A_527 = arith.constant 0 : i32
      %dma_start3A_528 = tpu.memref_slice %arg4[%add3A_521, %dma_start3A_527] : memref<204800x128xf32, #tpu.memory_space<hbm>> -> memref<128x128xf32, #tpu.memory_space<hbm>>
      %dma_start3A_529 = arith.constant 0 : i32
      %dma_start3A_530 = tpu.memref_slice %arg4[%add3A_521, %dma_start3A_529] : memref<204800x128xf32, #tpu.memory_space<hbm>> -> memref<128x128xf32, #tpu.memory_space<hbm>>
      %dma_start3A_531 = arith.constant 0 : i32
      %dma_start3A_532 = arith.constant 0 : i32
      %dma_start3A_533 = tpu.memref_slice %arg6[%dma_start3A_522, %dma_start3A_531, %dma_start3A_532] : memref<6x128x128xf32, #tpu.memory_space<vmem>> -> memref<1x128x128xf32, #tpu.memory_space<vmem>>
      %dma_start3A_534 = tpu.memref_squeeze %dma_start3A_533 : memref<1x128x128xf32, #tpu.memory_space<vmem>> -> memref<128x128xf32, #tpu.memory_space<vmem>>
      tpu.enqueue_dma source(%dma_start3A_534 : memref<128x128xf32, #tpu.memory_space<vmem>>) target(%dma_start3A_530 : memref<128x128xf32, #tpu.memory_space<hbm>>) target_semaphore(%arg8 : memref<!tpu.dma_semaphore, #tpu.memory_space<semaphore_mem>>)
      %sub3A_535 = arith.constant 3 : i32
      %sub3A_536 = arith.subi %add3A_505, %sub3A_535 : i32
      %mul3A_537 = arith.constant 128 : i32
      %mul3A_538 = arith.muli %sub3A_536, %mul3A_537 : i32
      %multiple_of3A_539 = tpu.assume_multiple %mul3A_538, 8 : i32
      %add3A_540 = arith.addi %mul3A_2, %multiple_of3A_539 : i32
      %dma_wait3A_541 = arith.constant 1 : i32
      %dma_wait3A_542 = arith.constant 0 : i32
      %dma_wait3A_543 = arith.constant 0 : i32
      %dma_wait3A_544 = tpu.memref_slice %arg6[%dma_wait3A_541, %dma_wait3A_542, %dma_wait3A_543] : memref<6x128x128xf32, #tpu.memory_space<vmem>> -> memref<1x128x128xf32, #tpu.memory_space<vmem>>
      %dma_wait3A_545 = tpu.memref_squeeze %dma_wait3A_544 : memref<1x128x128xf32, #tpu.memory_space<vmem>> -> memref<128x128xf32, #tpu.memory_space<vmem>>
      %dma_wait3A_546 = arith.constant 0 : i32
      %dma_wait3A_547 = tpu.memref_slice %arg4[%add3A_540, %dma_wait3A_546] : memref<204800x128xf32, #tpu.memory_space<hbm>> -> memref<128x128xf32, #tpu.memory_space<hbm>>
      %dma_wait3A_548 = arith.constant 0 : i32
      %dma_wait3A_549 = tpu.memref_slice %arg4[%add3A_540, %dma_wait3A_548] : memref<204800x128xf32, #tpu.memory_space<hbm>> -> memref<128x128xf32, #tpu.memory_space<hbm>>
      %dma_wait3A_550 = arith.constant 0 : i32
      %dma_wait3A_551 = arith.constant 0 : i32
      %dma_wait3A_552 = tpu.memref_slice %arg6[%dma_wait3A_541, %dma_wait3A_550, %dma_wait3A_551] : memref<6x128x128xf32, #tpu.memory_space<vmem>> -> memref<1x128x128xf32, #tpu.memory_space<vmem>>
      %dma_wait3A_553 = tpu.memref_squeeze %dma_wait3A_552 : memref<1x128x128xf32, #tpu.memory_space<vmem>> -> memref<128x128xf32, #tpu.memory_space<vmem>>
      tpu.wait_dma2 semaphore(%arg8 : memref<!tpu.dma_semaphore, #tpu.memory_space<semaphore_mem>>) src(%dma_wait3A_553 : memref<128x128xf32, #tpu.memory_space<vmem>>) dst(%dma_wait3A_549 : memref<128x128xf32, #tpu.memory_space<hbm>>)
      %add3A_554 = arith.constant 3 : i32
      %add3A_555 = arith.addi %add3A_505, %add3A_554 : i32
      %mul3A_556 = arith.constant 128 : i32
      %mul3A_557 = arith.muli %add3A_555, %mul3A_556 : i32
      %multiple_of3A_558 = tpu.assume_multiple %mul3A_557, 8 : i32
      %dma_start3A_559 = arith.constant 1 : i32
      %dma_start3A_560 = arith.constant 0 : i32
      %dma_start3A_561 = arith.constant 0 : i32
      %dma_start3A_562 = tpu.memref_slice %arg6[%dma_start3A_559, %dma_start3A_560, %dma_start3A_561] : memref<6x128x128xf32, #tpu.memory_space<vmem>> -> memref<1x128x128xf32, #tpu.memory_space<vmem>>
      %dma_start3A_563 = tpu.memref_squeeze %dma_start3A_562 : memref<1x128x128xf32, #tpu.memory_space<vmem>> -> memref<128x128xf32, #tpu.memory_space<vmem>>
      %dma_start3A_564 = tpu.memref_slice %arg5[%multiple_of3A_558] : memref<6400xi32, #tpu.memory_space<vmem>> -> memref<128xi32, #tpu.memory_space<vmem>>
      %dma_start3A_565 = arith.constant 0 : i32
      %dma_start3A_566 = arith.constant 0 : i32
      %dma_start3A_567 = tpu.memref_slice %arg2[%dma_start3A_565, %dma_start3A_566] : memref<100000x128xf32, #tpu.memory_space<hbm>> -> memref<100000x128xf32, #tpu.memory_space<hbm>>
      tpu.enqueue_indirect_dma source(%dma_start3A_567 : memref<100000x128xf32, #tpu.memory_space<hbm>>) target(%dma_start3A_563 : memref<128x128xf32, #tpu.memory_space<vmem>>) offsets(%dma_start3A_564 : memref<128xi32, #tpu.memory_space<vmem>>) semaphore(%arg7 : memref<!tpu.dma_semaphore, #tpu.memory_space<semaphore_mem>>)
      %add3A_568 = arith.constant 2 : i32
      %add3A_569 = arith.addi %add3A_440, %add3A_568 : i32
      %mul3A_570 = arith.constant 128 : i32
      %mul3A_571 = arith.muli %add3A_569, %mul3A_570 : i32
      %multiple_of3A_572 = tpu.assume_multiple %mul3A_571, 8 : i32
      %dma_wait3A_573 = arith.constant 5 : i32
      %dma_wait3A_574 = arith.constant 0 : i32
      %dma_wait3A_575 = arith.constant 0 : i32
      %dma_wait3A_576 = tpu.memref_slice %arg6[%dma_wait3A_573, %dma_wait3A_574, %dma_wait3A_575] : memref<6x128x128xf32, #tpu.memory_space<vmem>> -> memref<1x128x128xf32, #tpu.memory_space<vmem>>
      %dma_wait3A_577 = tpu.memref_squeeze %dma_wait3A_576 : memref<1x128x128xf32, #tpu.memory_space<vmem>> -> memref<128x128xf32, #tpu.memory_space<vmem>>
      %dma_wait3A_578 = tpu.memref_slice %arg5[%multiple_of3A_572] : memref<6400xi32, #tpu.memory_space<vmem>> -> memref<128xi32, #tpu.memory_space<vmem>>
      %dma_wait3A_579 = arith.constant 0 : i32
      %dma_wait3A_580 = arith.constant 0 : i32
      %dma_wait3A_581 = tpu.memref_slice %arg2[%dma_wait3A_579, %dma_wait3A_580] : memref<100000x128xf32, #tpu.memory_space<hbm>> -> memref<100000x128xf32, #tpu.memory_space<hbm>>
      tpu.wait_indirect_dma semaphore(%arg7 : memref<!tpu.dma_semaphore, #tpu.memory_space<semaphore_mem>>) src(%dma_wait3A_581 : memref<100000x128xf32, #tpu.memory_space<hbm>>) dst(%dma_wait3A_577 : memref<128x128xf32, #tpu.memory_space<vmem>>)
      %mul3A_582 = arith.constant 128 : i32
      %mul3A_583 = arith.muli %add3A_569, %mul3A_582 : i32
      %multiple_of3A_584 = tpu.assume_multiple %mul3A_583, 8 : i32
      %add3A_585 = arith.addi %mul3A_2, %multiple_of3A_584 : i32
      %dma_start3A_586 = arith.constant 5 : i32
      %dma_start3A_587 = arith.constant 0 : i32
      %dma_start3A_588 = arith.constant 0 : i32
      %dma_start3A_589 = tpu.memref_slice %arg6[%dma_start3A_586, %dma_start3A_587, %dma_start3A_588] : memref<6x128x128xf32, #tpu.memory_space<vmem>> -> memref<1x128x128xf32, #tpu.memory_space<vmem>>
      %dma_start3A_590 = tpu.memref_squeeze %dma_start3A_589 : memref<1x128x128xf32, #tpu.memory_space<vmem>> -> memref<128x128xf32, #tpu.memory_space<vmem>>
      %dma_start3A_591 = arith.constant 0 : i32
      %dma_start3A_592 = tpu.memref_slice %arg4[%add3A_585, %dma_start3A_591] : memref<204800x128xf32, #tpu.memory_space<hbm>> -> memref<128x128xf32, #tpu.memory_space<hbm>>
      %dma_start3A_593 = arith.constant 0 : i32
      %dma_start3A_594 = tpu.memref_slice %arg4[%add3A_585, %dma_start3A_593] : memref<204800x128xf32, #tpu.memory_space<hbm>> -> memref<128x128xf32, #tpu.memory_space<hbm>>
      %dma_start3A_595 = arith.constant 0 : i32
      %dma_start3A_596 = arith.constant 0 : i32
      %dma_start3A_597 = tpu.memref_slice %arg6[%dma_start3A_586, %dma_start3A_595, %dma_start3A_596] : memref<6x128x128xf32, #tpu.memory_space<vmem>> -> memref<1x128x128xf32, #tpu.memory_space<vmem>>
      %dma_start3A_598 = tpu.memref_squeeze %dma_start3A_597 : memref<1x128x128xf32, #tpu.memory_space<vmem>> -> memref<128x128xf32, #tpu.memory_space<vmem>>
      tpu.enqueue_dma source(%dma_start3A_598 : memref<128x128xf32, #tpu.memory_space<vmem>>) target(%dma_start3A_594 : memref<128x128xf32, #tpu.memory_space<hbm>>) target_semaphore(%arg8 : memref<!tpu.dma_semaphore, #tpu.memory_space<semaphore_mem>>)
      %sub3A_599 = arith.constant 3 : i32
      %sub3A_600 = arith.subi %add3A_569, %sub3A_599 : i32
      %mul3A_601 = arith.constant 128 : i32
      %mul3A_602 = arith.muli %sub3A_600, %mul3A_601 : i32
      %multiple_of3A_603 = tpu.assume_multiple %mul3A_602, 8 : i32
      %add3A_604 = arith.addi %mul3A_2, %multiple_of3A_603 : i32
      %dma_wait3A_605 = arith.constant 2 : i32
      %dma_wait3A_606 = arith.constant 0 : i32
      %dma_wait3A_607 = arith.constant 0 : i32
      %dma_wait3A_608 = tpu.memref_slice %arg6[%dma_wait3A_605, %dma_wait3A_606, %dma_wait3A_607] : memref<6x128x128xf32, #tpu.memory_space<vmem>> -> memref<1x128x128xf32, #tpu.memory_space<vmem>>
      %dma_wait3A_609 = tpu.memref_squeeze %dma_wait3A_608 : memref<1x128x128xf32, #tpu.memory_space<vmem>> -> memref<128x128xf32, #tpu.memory_space<vmem>>
      %dma_wait3A_610 = arith.constant 0 : i32
      %dma_wait3A_611 = tpu.memref_slice %arg4[%add3A_604, %dma_wait3A_610] : memref<204800x128xf32, #tpu.memory_space<hbm>> -> memref<128x128xf32, #tpu.memory_space<hbm>>
      %dma_wait3A_612 = arith.constant 0 : i32
      %dma_wait3A_613 = tpu.memref_slice %arg4[%add3A_604, %dma_wait3A_612] : memref<204800x128xf32, #tpu.memory_space<hbm>> -> memref<128x128xf32, #tpu.memory_space<hbm>>
      %dma_wait3A_614 = arith.constant 0 : i32
      %dma_wait3A_615 = arith.constant 0 : i32
      %dma_wait3A_616 = tpu.memref_slice %arg6[%dma_wait3A_605, %dma_wait3A_614, %dma_wait3A_615] : memref<6x128x128xf32, #tpu.memory_space<vmem>> -> memref<1x128x128xf32, #tpu.memory_space<vmem>>
      %dma_wait3A_617 = tpu.memref_squeeze %dma_wait3A_616 : memref<1x128x128xf32, #tpu.memory_space<vmem>> -> memref<128x128xf32, #tpu.memory_space<vmem>>
      tpu.wait_dma2 semaphore(%arg8 : memref<!tpu.dma_semaphore, #tpu.memory_space<semaphore_mem>>) src(%dma_wait3A_617 : memref<128x128xf32, #tpu.memory_space<vmem>>) dst(%dma_wait3A_613 : memref<128x128xf32, #tpu.memory_space<hbm>>)
      %add3A_618 = arith.constant 3 : i32
      %add3A_619 = arith.addi %add3A_569, %add3A_618 : i32
      %mul3A_620 = arith.constant 128 : i32
      %mul3A_621 = arith.muli %add3A_619, %mul3A_620 : i32
      %multiple_of3A_622 = tpu.assume_multiple %mul3A_621, 8 : i32
      %dma_start3A_623 = arith.constant 2 : i32
      %dma_start3A_624 = arith.constant 0 : i32
      %dma_start3A_625 = arith.constant 0 : i32
      %dma_start3A_626 = tpu.memref_slice %arg6[%dma_start3A_623, %dma_start3A_624, %dma_start3A_625] : memref<6x128x128xf32, #tpu.memory_space<vmem>> -> memref<1x128x128xf32, #tpu.memory_space<vmem>>
      %dma_start3A_627 = tpu.memref_squeeze %dma_start3A_626 : memref<1x128x128xf32, #tpu.memory_space<vmem>> -> memref<128x128xf32, #tpu.memory_space<vmem>>
      %dma_start3A_628 = tpu.memref_slice %arg5[%multiple_of3A_622] : memref<6400xi32, #tpu.memory_space<vmem>> -> memref<128xi32, #tpu.memory_space<vmem>>
      %dma_start3A_629 = arith.constant 0 : i32
      %dma_start3A_630 = arith.constant 0 : i32
      %dma_start3A_631 = tpu.memref_slice %arg2[%dma_start3A_629, %dma_start3A_630] : memref<100000x128xf32, #tpu.memory_space<hbm>> -> memref<100000x128xf32, #tpu.memory_space<hbm>>
      tpu.enqueue_indirect_dma source(%dma_start3A_631 : memref<100000x128xf32, #tpu.memory_space<hbm>>) target(%dma_start3A_627 : memref<128x128xf32, #tpu.memory_space<vmem>>) offsets(%dma_start3A_628 : memref<128xi32, #tpu.memory_space<vmem>>) semaphore(%arg7 : memref<!tpu.dma_semaphore, #tpu.memory_space<semaphore_mem>>)
      %add3A_632 = arith.constant 3 : i32
      %add3A_633 = arith.addi %add3A_440, %add3A_632 : i32
      %mul3A_634 = arith.constant 128 : i32
      %mul3A_635 = arith.muli %add3A_633, %mul3A_634 : i32
      %multiple_of3A_636 = tpu.assume_multiple %mul3A_635, 8 : i32
      %dma_wait3A_637 = arith.constant 0 : i32
      %dma_wait3A_638 = arith.constant 0 : i32
      %dma_wait3A_639 = arith.constant 0 : i32
      %dma_wait3A_640 = tpu.memref_slice %arg6[%dma_wait3A_637, %dma_wait3A_638, %dma_wait3A_639] : memref<6x128x128xf32, #tpu.memory_space<vmem>> -> memref<1x128x128xf32, #tpu.memory_space<vmem>>
      %dma_wait3A_641 = tpu.memref_squeeze %dma_wait3A_640 : memref<1x128x128xf32, #tpu.memory_space<vmem>> -> memref<128x128xf32, #tpu.memory_space<vmem>>
      %dma_wait3A_642 = tpu.memref_slice %arg5[%multiple_of3A_636] : memref<6400xi32, #tpu.memory_space<vmem>> -> memref<128xi32, #tpu.memory_space<vmem>>
      %dma_wait3A_643 = arith.constant 0 : i32
      %dma_wait3A_644 = arith.constant 0 : i32
      %dma_wait3A_645 = tpu.memref_slice %arg2[%dma_wait3A_643, %dma_wait3A_644] : memref<100000x128xf32, #tpu.memory_space<hbm>> -> memref<100000x128xf32, #tpu.memory_space<hbm>>
      tpu.wait_indirect_dma semaphore(%arg7 : memref<!tpu.dma_semaphore, #tpu.memory_space<semaphore_mem>>) src(%dma_wait3A_645 : memref<100000x128xf32, #tpu.memory_space<hbm>>) dst(%dma_wait3A_641 : memref<128x128xf32, #tpu.memory_space<vmem>>)
      %mul3A_646 = arith.constant 128 : i32
      %mul3A_647 = arith.muli %add3A_633, %mul3A_646 : i32
      %multiple_of3A_648 = tpu.assume_multiple %mul3A_647, 8 : i32
      %add3A_649 = arith.addi %mul3A_2, %multiple_of3A_648 : i32
      %dma_start3A_650 = arith.constant 0 : i32
      %dma_start3A_651 = arith.constant 0 : i32
      %dma_start3A_652 = arith.constant 0 : i32
      %dma_start3A_653 = tpu.memref_slice %arg6[%dma_start3A_650, %dma_start3A_651, %dma_start3A_652] : memref<6x128x128xf32, #tpu.memory_space<vmem>> -> memref<1x128x128xf32, #tpu.memory_space<vmem>>
      %dma_start3A_654 = tpu.memref_squeeze %dma_start3A_653 : memref<1x128x128xf32, #tpu.memory_space<vmem>> -> memref<128x128xf32, #tpu.memory_space<vmem>>
      %dma_start3A_655 = arith.constant 0 : i32
      %dma_start3A_656 = tpu.memref_slice %arg4[%add3A_649, %dma_start3A_655] : memref<204800x128xf32, #tpu.memory_space<hbm>> -> memref<128x128xf32, #tpu.memory_space<hbm>>
      %dma_start3A_657 = arith.constant 0 : i32
      %dma_start3A_658 = tpu.memref_slice %arg4[%add3A_649, %dma_start3A_657] : memref<204800x128xf32, #tpu.memory_space<hbm>> -> memref<128x128xf32, #tpu.memory_space<hbm>>
      %dma_start3A_659 = arith.constant 0 : i32
      %dma_start3A_660 = arith.constant 0 : i32
      %dma_start3A_661 = tpu.memref_slice %arg6[%dma_start3A_650, %dma_start3A_659, %dma_start3A_660] : memref<6x128x128xf32, #tpu.memory_space<vmem>> -> memref<1x128x128xf32, #tpu.memory_space<vmem>>
      %dma_start3A_662 = tpu.memref_squeeze %dma_start3A_661 : memref<1x128x128xf32, #tpu.memory_space<vmem>> -> memref<128x128xf32, #tpu.memory_space<vmem>>
      tpu.enqueue_dma source(%dma_start3A_662 : memref<128x128xf32, #tpu.memory_space<vmem>>) target(%dma_start3A_658 : memref<128x128xf32, #tpu.memory_space<hbm>>) target_semaphore(%arg8 : memref<!tpu.dma_semaphore, #tpu.memory_space<semaphore_mem>>)
      %sub3A_663 = arith.constant 3 : i32
      %sub3A_664 = arith.subi %add3A_633, %sub3A_663 : i32
      %mul3A_665 = arith.constant 128 : i32
      %mul3A_666 = arith.muli %sub3A_664, %mul3A_665 : i32
      %multiple_of3A_667 = tpu.assume_multiple %mul3A_666, 8 : i32
      %add3A_668 = arith.addi %mul3A_2, %multiple_of3A_667 : i32
      %dma_wait3A_669 = arith.constant 3 : i32
      %dma_wait3A_670 = arith.constant 0 : i32
      %dma_wait3A_671 = arith.constant 0 : i32
      %dma_wait3A_672 = tpu.memref_slice %arg6[%dma_wait3A_669, %dma_wait3A_670, %dma_wait3A_671] : memref<6x128x128xf32, #tpu.memory_space<vmem>> -> memref<1x128x128xf32, #tpu.memory_space<vmem>>
      %dma_wait3A_673 = tpu.memref_squeeze %dma_wait3A_672 : memref<1x128x128xf32, #tpu.memory_space<vmem>> -> memref<128x128xf32, #tpu.memory_space<vmem>>
      %dma_wait3A_674 = arith.constant 0 : i32
      %dma_wait3A_675 = tpu.memref_slice %arg4[%add3A_668, %dma_wait3A_674] : memref<204800x128xf32, #tpu.memory_space<hbm>> -> memref<128x128xf32, #tpu.memory_space<hbm>>
      %dma_wait3A_676 = arith.constant 0 : i32
      %dma_wait3A_677 = tpu.memref_slice %arg4[%add3A_668, %dma_wait3A_676] : memref<204800x128xf32, #tpu.memory_space<hbm>> -> memref<128x128xf32, #tpu.memory_space<hbm>>
      %dma_wait3A_678 = arith.constant 0 : i32
      %dma_wait3A_679 = arith.constant 0 : i32
      %dma_wait3A_680 = tpu.memref_slice %arg6[%dma_wait3A_669, %dma_wait3A_678, %dma_wait3A_679] : memref<6x128x128xf32, #tpu.memory_space<vmem>> -> memref<1x128x128xf32, #tpu.memory_space<vmem>>
      %dma_wait3A_681 = tpu.memref_squeeze %dma_wait3A_680 : memref<1x128x128xf32, #tpu.memory_space<vmem>> -> memref<128x128xf32, #tpu.memory_space<vmem>>
      tpu.wait_dma2 semaphore(%arg8 : memref<!tpu.dma_semaphore, #tpu.memory_space<semaphore_mem>>) src(%dma_wait3A_681 : memref<128x128xf32, #tpu.memory_space<vmem>>) dst(%dma_wait3A_677 : memref<128x128xf32, #tpu.memory_space<hbm>>)
      %add3A_682 = arith.constant 3 : i32
      %add3A_683 = arith.addi %add3A_633, %add3A_682 : i32
      %mul3A_684 = arith.constant 128 : i32
      %mul3A_685 = arith.muli %add3A_683, %mul3A_684 : i32
      %multiple_of3A_686 = tpu.assume_multiple %mul3A_685, 8 : i32
      %dma_start3A_687 = arith.constant 3 : i32
      %dma_start3A_688 = arith.constant 0 : i32
      %dma_start3A_689 = arith.constant 0 : i32
      %dma_start3A_690 = tpu.memref_slice %arg6[%dma_start3A_687, %dma_start3A_688, %dma_start3A_689] : memref<6x128x128xf32, #tpu.memory_space<vmem>> -> memref<1x128x128xf32, #tpu.memory_space<vmem>>
      %dma_start3A_691 = tpu.memref_squeeze %dma_start3A_690 : memref<1x128x128xf32, #tpu.memory_space<vmem>> -> memref<128x128xf32, #tpu.memory_space<vmem>>
      %dma_start3A_692 = tpu.memref_slice %arg5[%multiple_of3A_686] : memref<6400xi32, #tpu.memory_space<vmem>> -> memref<128xi32, #tpu.memory_space<vmem>>
      %dma_start3A_693 = arith.constant 0 : i32
      %dma_start3A_694 = arith.constant 0 : i32
      %dma_start3A_695 = tpu.memref_slice %arg2[%dma_start3A_693, %dma_start3A_694] : memref<100000x128xf32, #tpu.memory_space<hbm>> -> memref<100000x128xf32, #tpu.memory_space<hbm>>
      tpu.enqueue_indirect_dma source(%dma_start3A_695 : memref<100000x128xf32, #tpu.memory_space<hbm>>) target(%dma_start3A_691 : memref<128x128xf32, #tpu.memory_space<vmem>>) offsets(%dma_start3A_692 : memref<128xi32, #tpu.memory_space<vmem>>) semaphore(%arg7 : memref<!tpu.dma_semaphore, #tpu.memory_space<semaphore_mem>>)
      %add3A_696 = arith.constant 4 : i32
      %add3A_697 = arith.addi %add3A_440, %add3A_696 : i32
      %mul3A_698 = arith.constant 128 : i32
      %mul3A_699 = arith.muli %add3A_697, %mul3A_698 : i32
      %multiple_of3A_700 = tpu.assume_multiple %mul3A_699, 8 : i32
      %dma_wait3A_701 = arith.constant 1 : i32
      %dma_wait3A_702 = arith.constant 0 : i32
      %dma_wait3A_703 = arith.constant 0 : i32
      %dma_wait3A_704 = tpu.memref_slice %arg6[%dma_wait3A_701, %dma_wait3A_702, %dma_wait3A_703] : memref<6x128x128xf32, #tpu.memory_space<vmem>> -> memref<1x128x128xf32, #tpu.memory_space<vmem>>
      %dma_wait3A_705 = tpu.memref_squeeze %dma_wait3A_704 : memref<1x128x128xf32, #tpu.memory_space<vmem>> -> memref<128x128xf32, #tpu.memory_space<vmem>>
      %dma_wait3A_706 = tpu.memref_slice %arg5[%multiple_of3A_700] : memref<6400xi32, #tpu.memory_space<vmem>> -> memref<128xi32, #tpu.memory_space<vmem>>
      %dma_wait3A_707 = arith.constant 0 : i32
      %dma_wait3A_708 = arith.constant 0 : i32
      %dma_wait3A_709 = tpu.memref_slice %arg2[%dma_wait3A_707, %dma_wait3A_708] : memref<100000x128xf32, #tpu.memory_space<hbm>> -> memref<100000x128xf32, #tpu.memory_space<hbm>>
      tpu.wait_indirect_dma semaphore(%arg7 : memref<!tpu.dma_semaphore, #tpu.memory_space<semaphore_mem>>) src(%dma_wait3A_709 : memref<100000x128xf32, #tpu.memory_space<hbm>>) dst(%dma_wait3A_705 : memref<128x128xf32, #tpu.memory_space<vmem>>)
      %mul3A_710 = arith.constant 128 : i32
      %mul3A_711 = arith.muli %add3A_697, %mul3A_710 : i32
      %multiple_of3A_712 = tpu.assume_multiple %mul3A_711, 8 : i32
      %add3A_713 = arith.addi %mul3A_2, %multiple_of3A_712 : i32
      %dma_start3A_714 = arith.constant 1 : i32
      %dma_start3A_715 = arith.constant 0 : i32
      %dma_start3A_716 = arith.constant 0 : i32
      %dma_start3A_717 = tpu.memref_slice %arg6[%dma_start3A_714, %dma_start3A_715, %dma_start3A_716] : memref<6x128x128xf32, #tpu.memory_space<vmem>> -> memref<1x128x128xf32, #tpu.memory_space<vmem>>
      %dma_start3A_718 = tpu.memref_squeeze %dma_start3A_717 : memref<1x128x128xf32, #tpu.memory_space<vmem>> -> memref<128x128xf32, #tpu.memory_space<vmem>>
      %dma_start3A_719 = arith.constant 0 : i32
      %dma_start3A_720 = tpu.memref_slice %arg4[%add3A_713, %dma_start3A_719] : memref<204800x128xf32, #tpu.memory_space<hbm>> -> memref<128x128xf32, #tpu.memory_space<hbm>>
      %dma_start3A_721 = arith.constant 0 : i32
      %dma_start3A_722 = tpu.memref_slice %arg4[%add3A_713, %dma_start3A_721] : memref<204800x128xf32, #tpu.memory_space<hbm>> -> memref<128x128xf32, #tpu.memory_space<hbm>>
      %dma_start3A_723 = arith.constant 0 : i32
      %dma_start3A_724 = arith.constant 0 : i32
      %dma_start3A_725 = tpu.memref_slice %arg6[%dma_start3A_714, %dma_start3A_723, %dma_start3A_724] : memref<6x128x128xf32, #tpu.memory_space<vmem>> -> memref<1x128x128xf32, #tpu.memory_space<vmem>>
      %dma_start3A_726 = tpu.memref_squeeze %dma_start3A_725 : memref<1x128x128xf32, #tpu.memory_space<vmem>> -> memref<128x128xf32, #tpu.memory_space<vmem>>
      tpu.enqueue_dma source(%dma_start3A_726 : memref<128x128xf32, #tpu.memory_space<vmem>>) target(%dma_start3A_722 : memref<128x128xf32, #tpu.memory_space<hbm>>) target_semaphore(%arg8 : memref<!tpu.dma_semaphore, #tpu.memory_space<semaphore_mem>>)
      %sub3A_727 = arith.constant 3 : i32
      %sub3A_728 = arith.subi %add3A_697, %sub3A_727 : i32
      %mul3A_729 = arith.constant 128 : i32
      %mul3A_730 = arith.muli %sub3A_728, %mul3A_729 : i32
      %multiple_of3A_731 = tpu.assume_multiple %mul3A_730, 8 : i32
      %add3A_732 = arith.addi %mul3A_2, %multiple_of3A_731 : i32
      %dma_wait3A_733 = arith.constant 4 : i32
      %dma_wait3A_734 = arith.constant 0 : i32
      %dma_wait3A_735 = arith.constant 0 : i32
      %dma_wait3A_736 = tpu.memref_slice %arg6[%dma_wait3A_733, %dma_wait3A_734, %dma_wait3A_735] : memref<6x128x128xf32, #tpu.memory_space<vmem>> -> memref<1x128x128xf32, #tpu.memory_space<vmem>>
      %dma_wait3A_737 = tpu.memref_squeeze %dma_wait3A_736 : memref<1x128x128xf32, #tpu.memory_space<vmem>> -> memref<128x128xf32, #tpu.memory_space<vmem>>
      %dma_wait3A_738 = arith.constant 0 : i32
      %dma_wait3A_739 = tpu.memref_slice %arg4[%add3A_732, %dma_wait3A_738] : memref<204800x128xf32, #tpu.memory_space<hbm>> -> memref<128x128xf32, #tpu.memory_space<hbm>>
      %dma_wait3A_740 = arith.constant 0 : i32
      %dma_wait3A_741 = tpu.memref_slice %arg4[%add3A_732, %dma_wait3A_740] : memref<204800x128xf32, #tpu.memory_space<hbm>> -> memref<128x128xf32, #tpu.memory_space<hbm>>
      %dma_wait3A_742 = arith.constant 0 : i32
      %dma_wait3A_743 = arith.constant 0 : i32
      %dma_wait3A_744 = tpu.memref_slice %arg6[%dma_wait3A_733, %dma_wait3A_742, %dma_wait3A_743] : memref<6x128x128xf32, #tpu.memory_space<vmem>> -> memref<1x128x128xf32, #tpu.memory_space<vmem>>
      %dma_wait3A_745 = tpu.memref_squeeze %dma_wait3A_744 : memref<1x128x128xf32, #tpu.memory_space<vmem>> -> memref<128x128xf32, #tpu.memory_space<vmem>>
      tpu.wait_dma2 semaphore(%arg8 : memref<!tpu.dma_semaphore, #tpu.memory_space<semaphore_mem>>) src(%dma_wait3A_745 : memref<128x128xf32, #tpu.memory_space<vmem>>) dst(%dma_wait3A_741 : memref<128x128xf32, #tpu.memory_space<hbm>>)
      %add3A_746 = arith.constant 3 : i32
      %add3A_747 = arith.addi %add3A_697, %add3A_746 : i32
      %mul3A_748 = arith.constant 128 : i32
      %mul3A_749 = arith.muli %add3A_747, %mul3A_748 : i32
      %multiple_of3A_750 = tpu.assume_multiple %mul3A_749, 8 : i32
      %dma_start3A_751 = arith.constant 4 : i32
      %dma_start3A_752 = arith.constant 0 : i32
      %dma_start3A_753 = arith.constant 0 : i32
      %dma_start3A_754 = tpu.memref_slice %arg6[%dma_start3A_751, %dma_start3A_752, %dma_start3A_753] : memref<6x128x128xf32, #tpu.memory_space<vmem>> -> memref<1x128x128xf32, #tpu.memory_space<vmem>>
      %dma_start3A_755 = tpu.memref_squeeze %dma_start3A_754 : memref<1x128x128xf32, #tpu.memory_space<vmem>> -> memref<128x128xf32, #tpu.memory_space<vmem>>
      %dma_start3A_756 = tpu.memref_slice %arg5[%multiple_of3A_750] : memref<6400xi32, #tpu.memory_space<vmem>> -> memref<128xi32, #tpu.memory_space<vmem>>
      %dma_start3A_757 = arith.constant 0 : i32
      %dma_start3A_758 = arith.constant 0 : i32
      %dma_start3A_759 = tpu.memref_slice %arg2[%dma_start3A_757, %dma_start3A_758] : memref<100000x128xf32, #tpu.memory_space<hbm>> -> memref<100000x128xf32, #tpu.memory_space<hbm>>
      tpu.enqueue_indirect_dma source(%dma_start3A_759 : memref<100000x128xf32, #tpu.memory_space<hbm>>) target(%dma_start3A_755 : memref<128x128xf32, #tpu.memory_space<vmem>>) offsets(%dma_start3A_756 : memref<128xi32, #tpu.memory_space<vmem>>) semaphore(%arg7 : memref<!tpu.dma_semaphore, #tpu.memory_space<semaphore_mem>>)
      %add3A_760 = arith.constant 5 : i32
      %add3A_761 = arith.addi %add3A_440, %add3A_760 : i32
      %mul3A_762 = arith.constant 128 : i32
      %mul3A_763 = arith.muli %add3A_761, %mul3A_762 : i32
      %multiple_of3A_764 = tpu.assume_multiple %mul3A_763, 8 : i32
      %dma_wait3A_765 = arith.constant 2 : i32
      %dma_wait3A_766 = arith.constant 0 : i32
      %dma_wait3A_767 = arith.constant 0 : i32
      %dma_wait3A_768 = tpu.memref_slice %arg6[%dma_wait3A_765, %dma_wait3A_766, %dma_wait3A_767] : memref<6x128x128xf32, #tpu.memory_space<vmem>> -> memref<1x128x128xf32, #tpu.memory_space<vmem>>
      %dma_wait3A_769 = tpu.memref_squeeze %dma_wait3A_768 : memref<1x128x128xf32, #tpu.memory_space<vmem>> -> memref<128x128xf32, #tpu.memory_space<vmem>>
      %dma_wait3A_770 = tpu.memref_slice %arg5[%multiple_of3A_764] : memref<6400xi32, #tpu.memory_space<vmem>> -> memref<128xi32, #tpu.memory_space<vmem>>
      %dma_wait3A_771 = arith.constant 0 : i32
      %dma_wait3A_772 = arith.constant 0 : i32
      %dma_wait3A_773 = tpu.memref_slice %arg2[%dma_wait3A_771, %dma_wait3A_772] : memref<100000x128xf32, #tpu.memory_space<hbm>> -> memref<100000x128xf32, #tpu.memory_space<hbm>>
      tpu.wait_indirect_dma semaphore(%arg7 : memref<!tpu.dma_semaphore, #tpu.memory_space<semaphore_mem>>) src(%dma_wait3A_773 : memref<100000x128xf32, #tpu.memory_space<hbm>>) dst(%dma_wait3A_769 : memref<128x128xf32, #tpu.memory_space<vmem>>)
      %mul3A_774 = arith.constant 128 : i32
      %mul3A_775 = arith.muli %add3A_761, %mul3A_774 : i32
      %multiple_of3A_776 = tpu.assume_multiple %mul3A_775, 8 : i32
      %add3A_777 = arith.addi %mul3A_2, %multiple_of3A_776 : i32
      %dma_start3A_778 = arith.constant 2 : i32
      %dma_start3A_779 = arith.constant 0 : i32
      %dma_start3A_780 = arith.constant 0 : i32
      %dma_start3A_781 = tpu.memref_slice %arg6[%dma_start3A_778, %dma_start3A_779, %dma_start3A_780] : memref<6x128x128xf32, #tpu.memory_space<vmem>> -> memref<1x128x128xf32, #tpu.memory_space<vmem>>
      %dma_start3A_782 = tpu.memref_squeeze %dma_start3A_781 : memref<1x128x128xf32, #tpu.memory_space<vmem>> -> memref<128x128xf32, #tpu.memory_space<vmem>>
      %dma_start3A_783 = arith.constant 0 : i32
      %dma_start3A_784 = tpu.memref_slice %arg4[%add3A_777, %dma_start3A_783] : memref<204800x128xf32, #tpu.memory_space<hbm>> -> memref<128x128xf32, #tpu.memory_space<hbm>>
      %dma_start3A_785 = arith.constant 0 : i32
      %dma_start3A_786 = tpu.memref_slice %arg4[%add3A_777, %dma_start3A_785] : memref<204800x128xf32, #tpu.memory_space<hbm>> -> memref<128x128xf32, #tpu.memory_space<hbm>>
      %dma_start3A_787 = arith.constant 0 : i32
      %dma_start3A_788 = arith.constant 0 : i32
      %dma_start3A_789 = tpu.memref_slice %arg6[%dma_start3A_778, %dma_start3A_787, %dma_start3A_788] : memref<6x128x128xf32, #tpu.memory_space<vmem>> -> memref<1x128x128xf32, #tpu.memory_space<vmem>>
      %dma_start3A_790 = tpu.memref_squeeze %dma_start3A_789 : memref<1x128x128xf32, #tpu.memory_space<vmem>> -> memref<128x128xf32, #tpu.memory_space<vmem>>
      tpu.enqueue_dma source(%dma_start3A_790 : memref<128x128xf32, #tpu.memory_space<vmem>>) target(%dma_start3A_786 : memref<128x128xf32, #tpu.memory_space<hbm>>) target_semaphore(%arg8 : memref<!tpu.dma_semaphore, #tpu.memory_space<semaphore_mem>>)
      %sub3A_791 = arith.constant 3 : i32
      %sub3A_792 = arith.subi %add3A_761, %sub3A_791 : i32
      %mul3A_793 = arith.constant 128 : i32
      %mul3A_794 = arith.muli %sub3A_792, %mul3A_793 : i32
      %multiple_of3A_795 = tpu.assume_multiple %mul3A_794, 8 : i32
      %add3A_796 = arith.addi %mul3A_2, %multiple_of3A_795 : i32
      %dma_wait3A_797 = arith.constant 5 : i32
      %dma_wait3A_798 = arith.constant 0 : i32
      %dma_wait3A_799 = arith.constant 0 : i32
      %dma_wait3A_800 = tpu.memref_slice %arg6[%dma_wait3A_797, %dma_wait3A_798, %dma_wait3A_799] : memref<6x128x128xf32, #tpu.memory_space<vmem>> -> memref<1x128x128xf32, #tpu.memory_space<vmem>>
      %dma_wait3A_801 = tpu.memref_squeeze %dma_wait3A_800 : memref<1x128x128xf32, #tpu.memory_space<vmem>> -> memref<128x128xf32, #tpu.memory_space<vmem>>
      %dma_wait3A_802 = arith.constant 0 : i32
      %dma_wait3A_803 = tpu.memref_slice %arg4[%add3A_796, %dma_wait3A_802] : memref<204800x128xf32, #tpu.memory_space<hbm>> -> memref<128x128xf32, #tpu.memory_space<hbm>>
      %dma_wait3A_804 = arith.constant 0 : i32
      %dma_wait3A_805 = tpu.memref_slice %arg4[%add3A_796, %dma_wait3A_804] : memref<204800x128xf32, #tpu.memory_space<hbm>> -> memref<128x128xf32, #tpu.memory_space<hbm>>
      %dma_wait3A_806 = arith.constant 0 : i32
      %dma_wait3A_807 = arith.constant 0 : i32
      %dma_wait3A_808 = tpu.memref_slice %arg6[%dma_wait3A_797, %dma_wait3A_806, %dma_wait3A_807] : memref<6x128x128xf32, #tpu.memory_space<vmem>> -> memref<1x128x128xf32, #tpu.memory_space<vmem>>
      %dma_wait3A_809 = tpu.memref_squeeze %dma_wait3A_808 : memref<1x128x128xf32, #tpu.memory_space<vmem>> -> memref<128x128xf32, #tpu.memory_space<vmem>>
      tpu.wait_dma2 semaphore(%arg8 : memref<!tpu.dma_semaphore, #tpu.memory_space<semaphore_mem>>) src(%dma_wait3A_809 : memref<128x128xf32, #tpu.memory_space<vmem>>) dst(%dma_wait3A_805 : memref<128x128xf32, #tpu.memory_space<hbm>>)
      %add3A_810 = arith.constant 3 : i32
      %add3A_811 = arith.addi %add3A_761, %add3A_810 : i32
      %mul3A_812 = arith.constant 128 : i32
      %mul3A_813 = arith.muli %add3A_811, %mul3A_812 : i32
      %multiple_of3A_814 = tpu.assume_multiple %mul3A_813, 8 : i32
      %dma_start3A_815 = arith.constant 5 : i32
      %dma_start3A_816 = arith.constant 0 : i32
      %dma_start3A_817 = arith.constant 0 : i32
      %dma_start3A_818 = tpu.memref_slice %arg6[%dma_start3A_815, %dma_start3A_816, %dma_start3A_817] : memref<6x128x128xf32, #tpu.memory_space<vmem>> -> memref<1x128x128xf32, #tpu.memory_space<vmem>>
      %dma_start3A_819 = tpu.memref_squeeze %dma_start3A_818 : memref<1x128x128xf32, #tpu.memory_space<vmem>> -> memref<128x128xf32, #tpu.memory_space<vmem>>
      %dma_start3A_820 = tpu.memref_slice %arg5[%multiple_of3A_814] : memref<6400xi32, #tpu.memory_space<vmem>> -> memref<128xi32, #tpu.memory_space<vmem>>
      %dma_start3A_821 = arith.constant 0 : i32
      %dma_start3A_822 = arith.constant 0 : i32
      %dma_start3A_823 = tpu.memref_slice %arg2[%dma_start3A_821, %dma_start3A_822] : memref<100000x128xf32, #tpu.memory_space<hbm>> -> memref<100000x128xf32, #tpu.memory_space<hbm>>
      tpu.enqueue_indirect_dma source(%dma_start3A_823 : memref<100000x128xf32, #tpu.memory_space<hbm>>) target(%dma_start3A_819 : memref<128x128xf32, #tpu.memory_space<vmem>>) offsets(%dma_start3A_820 : memref<128xi32, #tpu.memory_space<vmem>>) semaphore(%arg7 : memref<!tpu.dma_semaphore, #tpu.memory_space<semaphore_mem>>)
    }
    %scan3A_150 = arith.constant 7 : i32
    %multiple_of3A_151 = arith.constant 5760 : i32
    %multiple_of3A_152 = tpu.assume_multiple %multiple_of3A_151, 8 : i32
    %dma_wait3A_153 = arith.constant 3 : i32
    %dma_wait3A_154 = arith.constant 0 : i32
    %dma_wait3A_155 = arith.constant 0 : i32
    %dma_wait3A_156 = tpu.memref_slice %arg6[%dma_wait3A_153, %dma_wait3A_154, %dma_wait3A_155] : memref<6x128x128xf32, #tpu.memory_space<vmem>> -> memref<1x128x128xf32, #tpu.memory_space<vmem>>
    %dma_wait3A_157 = tpu.memref_squeeze %dma_wait3A_156 : memref<1x128x128xf32, #tpu.memory_space<vmem>> -> memref<128x128xf32, #tpu.memory_space<vmem>>
    %dma_wait3A_158 = tpu.memref_slice %arg5[%multiple_of3A_152] : memref<6400xi32, #tpu.memory_space<vmem>> -> memref<128xi32, #tpu.memory_space<vmem>>
    %dma_wait3A_159 = arith.constant 0 : i32
    %dma_wait3A_160 = arith.constant 0 : i32
    %dma_wait3A_161 = tpu.memref_slice %arg2[%dma_wait3A_159, %dma_wait3A_160] : memref<100000x128xf32, #tpu.memory_space<hbm>> -> memref<100000x128xf32, #tpu.memory_space<hbm>>
    tpu.wait_indirect_dma semaphore(%arg7 : memref<!tpu.dma_semaphore, #tpu.memory_space<semaphore_mem>>) src(%dma_wait3A_161 : memref<100000x128xf32, #tpu.memory_space<hbm>>) dst(%dma_wait3A_157 : memref<128x128xf32, #tpu.memory_space<vmem>>)
    %multiple_of3A_162 = arith.constant 5760 : i32
    %multiple_of3A_163 = tpu.assume_multiple %multiple_of3A_162, 8 : i32
    %add3A_164 = arith.addi %mul3A_2, %multiple_of3A_163 : i32
    %dma_start3A_165 = arith.constant 3 : i32
    %dma_start3A_166 = arith.constant 0 : i32
    %dma_start3A_167 = arith.constant 0 : i32
    %dma_start3A_168 = tpu.memref_slice %arg6[%dma_start3A_165, %dma_start3A_166, %dma_start3A_167] : memref<6x128x128xf32, #tpu.memory_space<vmem>> -> memref<1x128x128xf32, #tpu.memory_space<vmem>>
    %dma_start3A_169 = tpu.memref_squeeze %dma_start3A_168 : memref<1x128x128xf32, #tpu.memory_space<vmem>> -> memref<128x128xf32, #tpu.memory_space<vmem>>
    %dma_start3A_170 = arith.constant 0 : i32
    %dma_start3A_171 = tpu.memref_slice %arg4[%add3A_164, %dma_start3A_170] : memref<204800x128xf32, #tpu.memory_space<hbm>> -> memref<128x128xf32, #tpu.memory_space<hbm>>
    %dma_start3A_172 = arith.constant 0 : i32
    %dma_start3A_173 = tpu.memref_slice %arg4[%add3A_164, %dma_start3A_172] : memref<204800x128xf32, #tpu.memory_space<hbm>> -> memref<128x128xf32, #tpu.memory_space<hbm>>
    %dma_start3A_174 = arith.constant 0 : i32
    %dma_start3A_175 = arith.constant 0 : i32
    %dma_start3A_176 = tpu.memref_slice %arg6[%dma_start3A_165, %dma_start3A_174, %dma_start3A_175] : memref<6x128x128xf32, #tpu.memory_space<vmem>> -> memref<1x128x128xf32, #tpu.memory_space<vmem>>
    %dma_start3A_177 = tpu.memref_squeeze %dma_start3A_176 : memref<1x128x128xf32, #tpu.memory_space<vmem>> -> memref<128x128xf32, #tpu.memory_space<vmem>>
    tpu.enqueue_dma source(%dma_start3A_177 : memref<128x128xf32, #tpu.memory_space<vmem>>) target(%dma_start3A_173 : memref<128x128xf32, #tpu.memory_space<hbm>>) target_semaphore(%arg8 : memref<!tpu.dma_semaphore, #tpu.memory_space<semaphore_mem>>)
    %multiple_of3A_178 = arith.constant 5376 : i32
    %multiple_of3A_179 = tpu.assume_multiple %multiple_of3A_178, 8 : i32
    %add3A_180 = arith.addi %mul3A_2, %multiple_of3A_179 : i32
    %dma_wait3A_181 = arith.constant 0 : i32
    %dma_wait3A_182 = arith.constant 0 : i32
    %dma_wait3A_183 = arith.constant 0 : i32
    %dma_wait3A_184 = tpu.memref_slice %arg6[%dma_wait3A_181, %dma_wait3A_182, %dma_wait3A_183] : memref<6x128x128xf32, #tpu.memory_space<vmem>> -> memref<1x128x128xf32, #tpu.memory_space<vmem>>
    %dma_wait3A_185 = tpu.memref_squeeze %dma_wait3A_184 : memref<1x128x128xf32, #tpu.memory_space<vmem>> -> memref<128x128xf32, #tpu.memory_space<vmem>>
    %dma_wait3A_186 = arith.constant 0 : i32
    %dma_wait3A_187 = tpu.memref_slice %arg4[%add3A_180, %dma_wait3A_186] : memref<204800x128xf32, #tpu.memory_space<hbm>> -> memref<128x128xf32, #tpu.memory_space<hbm>>
    %dma_wait3A_188 = arith.constant 0 : i32
    %dma_wait3A_189 = tpu.memref_slice %arg4[%add3A_180, %dma_wait3A_188] : memref<204800x128xf32, #tpu.memory_space<hbm>> -> memref<128x128xf32, #tpu.memory_space<hbm>>
    %dma_wait3A_190 = arith.constant 0 : i32
    %dma_wait3A_191 = arith.constant 0 : i32
    %dma_wait3A_192 = tpu.memref_slice %arg6[%dma_wait3A_181, %dma_wait3A_190, %dma_wait3A_191] : memref<6x128x128xf32, #tpu.memory_space<vmem>> -> memref<1x128x128xf32, #tpu.memory_space<vmem>>
    %dma_wait3A_193 = tpu.memref_squeeze %dma_wait3A_192 : memref<1x128x128xf32, #tpu.memory_space<vmem>> -> memref<128x128xf32, #tpu.memory_space<vmem>>
    tpu.wait_dma2 semaphore(%arg8 : memref<!tpu.dma_semaphore, #tpu.memory_space<semaphore_mem>>) src(%dma_wait3A_193 : memref<128x128xf32, #tpu.memory_space<vmem>>) dst(%dma_wait3A_189 : memref<128x128xf32, #tpu.memory_space<hbm>>)
    %multiple_of3A_194 = arith.constant 6144 : i32
    %multiple_of3A_195 = tpu.assume_multiple %multiple_of3A_194, 8 : i32
    %dma_start3A_196 = arith.constant 0 : i32
    %dma_start3A_197 = arith.constant 0 : i32
    %dma_start3A_198 = arith.constant 0 : i32
    %dma_start3A_199 = tpu.memref_slice %arg6[%dma_start3A_196, %dma_start3A_197, %dma_start3A_198] : memref<6x128x128xf32, #tpu.memory_space<vmem>> -> memref<1x128x128xf32, #tpu.memory_space<vmem>>
    %dma_start3A_200 = tpu.memref_squeeze %dma_start3A_199 : memref<1x128x128xf32, #tpu.memory_space<vmem>> -> memref<128x128xf32, #tpu.memory_space<vmem>>
    %dma_start3A_201 = tpu.memref_slice %arg5[%multiple_of3A_195] : memref<6400xi32, #tpu.memory_space<vmem>> -> memref<128xi32, #tpu.memory_space<vmem>>
    %dma_start3A_202 = arith.constant 0 : i32
    %dma_start3A_203 = arith.constant 0 : i32
    %dma_start3A_204 = tpu.memref_slice %arg2[%dma_start3A_202, %dma_start3A_203] : memref<100000x128xf32, #tpu.memory_space<hbm>> -> memref<100000x128xf32, #tpu.memory_space<hbm>>
    tpu.enqueue_indirect_dma source(%dma_start3A_204 : memref<100000x128xf32, #tpu.memory_space<hbm>>) target(%dma_start3A_200 : memref<128x128xf32, #tpu.memory_space<vmem>>) offsets(%dma_start3A_201 : memref<128xi32, #tpu.memory_space<vmem>>) semaphore(%arg7 : memref<!tpu.dma_semaphore, #tpu.memory_space<semaphore_mem>>)
    %multiple_of3A_205 = arith.constant 5888 : i32
    %multiple_of3A_206 = tpu.assume_multiple %multiple_of3A_205, 8 : i32
    %dma_wait3A_207 = arith.constant 4 : i32
    %dma_wait3A_208 = arith.constant 0 : i32
    %dma_wait3A_209 = arith.constant 0 : i32
    %dma_wait3A_210 = tpu.memref_slice %arg6[%dma_wait3A_207, %dma_wait3A_208, %dma_wait3A_209] : memref<6x128x128xf32, #tpu.memory_space<vmem>> -> memref<1x128x128xf32, #tpu.memory_space<vmem>>
    %dma_wait3A_211 = tpu.memref_squeeze %dma_wait3A_210 : memref<1x128x128xf32, #tpu.memory_space<vmem>> -> memref<128x128xf32, #tpu.memory_space<vmem>>
    %dma_wait3A_212 = tpu.memref_slice %arg5[%multiple_of3A_206] : memref<6400xi32, #tpu.memory_space<vmem>> -> memref<128xi32, #tpu.memory_space<vmem>>
    %dma_wait3A_213 = arith.constant 0 : i32
    %dma_wait3A_214 = arith.constant 0 : i32
    %dma_wait3A_215 = tpu.memref_slice %arg2[%dma_wait3A_213, %dma_wait3A_214] : memref<100000x128xf32, #tpu.memory_space<hbm>> -> memref<100000x128xf32, #tpu.memory_space<hbm>>
    tpu.wait_indirect_dma semaphore(%arg7 : memref<!tpu.dma_semaphore, #tpu.memory_space<semaphore_mem>>) src(%dma_wait3A_215 : memref<100000x128xf32, #tpu.memory_space<hbm>>) dst(%dma_wait3A_211 : memref<128x128xf32, #tpu.memory_space<vmem>>)
    %multiple_of3A_216 = arith.constant 5888 : i32
    %multiple_of3A_217 = tpu.assume_multiple %multiple_of3A_216, 8 : i32
    %add3A_218 = arith.addi %mul3A_2, %multiple_of3A_217 : i32
    %dma_start3A_219 = arith.constant 4 : i32
    %dma_start3A_220 = arith.constant 0 : i32
    %dma_start3A_221 = arith.constant 0 : i32
    %dma_start3A_222 = tpu.memref_slice %arg6[%dma_start3A_219, %dma_start3A_220, %dma_start3A_221] : memref<6x128x128xf32, #tpu.memory_space<vmem>> -> memref<1x128x128xf32, #tpu.memory_space<vmem>>
    %dma_start3A_223 = tpu.memref_squeeze %dma_start3A_222 : memref<1x128x128xf32, #tpu.memory_space<vmem>> -> memref<128x128xf32, #tpu.memory_space<vmem>>
    %dma_start3A_224 = arith.constant 0 : i32
    %dma_start3A_225 = tpu.memref_slice %arg4[%add3A_218, %dma_start3A_224] : memref<204800x128xf32, #tpu.memory_space<hbm>> -> memref<128x128xf32, #tpu.memory_space<hbm>>
    %dma_start3A_226 = arith.constant 0 : i32
    %dma_start3A_227 = tpu.memref_slice %arg4[%add3A_218, %dma_start3A_226] : memref<204800x128xf32, #tpu.memory_space<hbm>> -> memref<128x128xf32, #tpu.memory_space<hbm>>
    %dma_start3A_228 = arith.constant 0 : i32
    %dma_start3A_229 = arith.constant 0 : i32
    %dma_start3A_230 = tpu.memref_slice %arg6[%dma_start3A_219, %dma_start3A_228, %dma_start3A_229] : memref<6x128x128xf32, #tpu.memory_space<vmem>> -> memref<1x128x128xf32, #tpu.memory_space<vmem>>
    %dma_start3A_231 = tpu.memref_squeeze %dma_start3A_230 : memref<1x128x128xf32, #tpu.memory_space<vmem>> -> memref<128x128xf32, #tpu.memory_space<vmem>>
    tpu.enqueue_dma source(%dma_start3A_231 : memref<128x128xf32, #tpu.memory_space<vmem>>) target(%dma_start3A_227 : memref<128x128xf32, #tpu.memory_space<hbm>>) target_semaphore(%arg8 : memref<!tpu.dma_semaphore, #tpu.memory_space<semaphore_mem>>)
    %multiple_of3A_232 = arith.constant 5504 : i32
    %multiple_of3A_233 = tpu.assume_multiple %multiple_of3A_232, 8 : i32
    %add3A_234 = arith.addi %mul3A_2, %multiple_of3A_233 : i32
    %dma_wait3A_235 = arith.constant 1 : i32
    %dma_wait3A_236 = arith.constant 0 : i32
    %dma_wait3A_237 = arith.constant 0 : i32
    %dma_wait3A_238 = tpu.memref_slice %arg6[%dma_wait3A_235, %dma_wait3A_236, %dma_wait3A_237] : memref<6x128x128xf32, #tpu.memory_space<vmem>> -> memref<1x128x128xf32, #tpu.memory_space<vmem>>
    %dma_wait3A_239 = tpu.memref_squeeze %dma_wait3A_238 : memref<1x128x128xf32, #tpu.memory_space<vmem>> -> memref<128x128xf32, #tpu.memory_space<vmem>>
    %dma_wait3A_240 = arith.constant 0 : i32
    %dma_wait3A_241 = tpu.memref_slice %arg4[%add3A_234, %dma_wait3A_240] : memref<204800x128xf32, #tpu.memory_space<hbm>> -> memref<128x128xf32, #tpu.memory_space<hbm>>
    %dma_wait3A_242 = arith.constant 0 : i32
    %dma_wait3A_243 = tpu.memref_slice %arg4[%add3A_234, %dma_wait3A_242] : memref<204800x128xf32, #tpu.memory_space<hbm>> -> memref<128x128xf32, #tpu.memory_space<hbm>>
    %dma_wait3A_244 = arith.constant 0 : i32
    %dma_wait3A_245 = arith.constant 0 : i32
    %dma_wait3A_246 = tpu.memref_slice %arg6[%dma_wait3A_235, %dma_wait3A_244, %dma_wait3A_245] : memref<6x128x128xf32, #tpu.memory_space<vmem>> -> memref<1x128x128xf32, #tpu.memory_space<vmem>>
    %dma_wait3A_247 = tpu.memref_squeeze %dma_wait3A_246 : memref<1x128x128xf32, #tpu.memory_space<vmem>> -> memref<128x128xf32, #tpu.memory_space<vmem>>
    tpu.wait_dma2 semaphore(%arg8 : memref<!tpu.dma_semaphore, #tpu.memory_space<semaphore_mem>>) src(%dma_wait3A_247 : memref<128x128xf32, #tpu.memory_space<vmem>>) dst(%dma_wait3A_243 : memref<128x128xf32, #tpu.memory_space<hbm>>)
    %multiple_of3A_248 = arith.constant 6272 : i32
    %multiple_of3A_249 = tpu.assume_multiple %multiple_of3A_248, 8 : i32
    %dma_start3A_250 = arith.constant 1 : i32
    %dma_start3A_251 = arith.constant 0 : i32
    %dma_start3A_252 = arith.constant 0 : i32
    %dma_start3A_253 = tpu.memref_slice %arg6[%dma_start3A_250, %dma_start3A_251, %dma_start3A_252] : memref<6x128x128xf32, #tpu.memory_space<vmem>> -> memref<1x128x128xf32, #tpu.memory_space<vmem>>
    %dma_start3A_254 = tpu.memref_squeeze %dma_start3A_253 : memref<1x128x128xf32, #tpu.memory_space<vmem>> -> memref<128x128xf32, #tpu.memory_space<vmem>>
    %dma_start3A_255 = tpu.memref_slice %arg5[%multiple_of3A_249] : memref<6400xi32, #tpu.memory_space<vmem>> -> memref<128xi32, #tpu.memory_space<vmem>>
    %dma_start3A_256 = arith.constant 0 : i32
    %dma_start3A_257 = arith.constant 0 : i32
    %dma_start3A_258 = tpu.memref_slice %arg2[%dma_start3A_256, %dma_start3A_257] : memref<100000x128xf32, #tpu.memory_space<hbm>> -> memref<100000x128xf32, #tpu.memory_space<hbm>>
    tpu.enqueue_indirect_dma source(%dma_start3A_258 : memref<100000x128xf32, #tpu.memory_space<hbm>>) target(%dma_start3A_254 : memref<128x128xf32, #tpu.memory_space<vmem>>) offsets(%dma_start3A_255 : memref<128xi32, #tpu.memory_space<vmem>>) semaphore(%arg7 : memref<!tpu.dma_semaphore, #tpu.memory_space<semaphore_mem>>)
    %multiple_of3A_259 = arith.constant 6016 : i32
    %multiple_of3A_260 = tpu.assume_multiple %multiple_of3A_259, 8 : i32
    %dma_wait3A_261 = arith.constant 5 : i32
    %dma_wait3A_262 = arith.constant 0 : i32
    %dma_wait3A_263 = arith.constant 0 : i32
    %dma_wait3A_264 = tpu.memref_slice %arg6[%dma_wait3A_261, %dma_wait3A_262, %dma_wait3A_263] : memref<6x128x128xf32, #tpu.memory_space<vmem>> -> memref<1x128x128xf32, #tpu.memory_space<vmem>>
    %dma_wait3A_265 = tpu.memref_squeeze %dma_wait3A_264 : memref<1x128x128xf32, #tpu.memory_space<vmem>> -> memref<128x128xf32, #tpu.memory_space<vmem>>
    %dma_wait3A_266 = tpu.memref_slice %arg5[%multiple_of3A_260] : memref<6400xi32, #tpu.memory_space<vmem>> -> memref<128xi32, #tpu.memory_space<vmem>>
    %dma_wait3A_267 = arith.constant 0 : i32
    %dma_wait3A_268 = arith.constant 0 : i32
    %dma_wait3A_269 = tpu.memref_slice %arg2[%dma_wait3A_267, %dma_wait3A_268] : memref<100000x128xf32, #tpu.memory_space<hbm>> -> memref<100000x128xf32, #tpu.memory_space<hbm>>
    tpu.wait_indirect_dma semaphore(%arg7 : memref<!tpu.dma_semaphore, #tpu.memory_space<semaphore_mem>>) src(%dma_wait3A_269 : memref<100000x128xf32, #tpu.memory_space<hbm>>) dst(%dma_wait3A_265 : memref<128x128xf32, #tpu.memory_space<vmem>>)
    %multiple_of3A_270 = arith.constant 6016 : i32
    %multiple_of3A_271 = tpu.assume_multiple %multiple_of3A_270, 8 : i32
    %add3A_272 = arith.addi %mul3A_2, %multiple_of3A_271 : i32
    %dma_start3A_273 = arith.constant 5 : i32
    %dma_start3A_274 = arith.constant 0 : i32
    %dma_start3A_275 = arith.constant 0 : i32
    %dma_start3A_276 = tpu.memref_slice %arg6[%dma_start3A_273, %dma_start3A_274, %dma_start3A_275] : memref<6x128x128xf32, #tpu.memory_space<vmem>> -> memref<1x128x128xf32, #tpu.memory_space<vmem>>
    %dma_start3A_277 = tpu.memref_squeeze %dma_start3A_276 : memref<1x128x128xf32, #tpu.memory_space<vmem>> -> memref<128x128xf32, #tpu.memory_space<vmem>>
    %dma_start3A_278 = arith.constant 0 : i32
    %dma_start3A_279 = tpu.memref_slice %arg4[%add3A_272, %dma_start3A_278] : memref<204800x128xf32, #tpu.memory_space<hbm>> -> memref<128x128xf32, #tpu.memory_space<hbm>>
    %dma_start3A_280 = arith.constant 0 : i32
    %dma_start3A_281 = tpu.memref_slice %arg4[%add3A_272, %dma_start3A_280] : memref<204800x128xf32, #tpu.memory_space<hbm>> -> memref<128x128xf32, #tpu.memory_space<hbm>>
    %dma_start3A_282 = arith.constant 0 : i32
    %dma_start3A_283 = arith.constant 0 : i32
    %dma_start3A_284 = tpu.memref_slice %arg6[%dma_start3A_273, %dma_start3A_282, %dma_start3A_283] : memref<6x128x128xf32, #tpu.memory_space<vmem>> -> memref<1x128x128xf32, #tpu.memory_space<vmem>>
    %dma_start3A_285 = tpu.memref_squeeze %dma_start3A_284 : memref<1x128x128xf32, #tpu.memory_space<vmem>> -> memref<128x128xf32, #tpu.memory_space<vmem>>
    tpu.enqueue_dma source(%dma_start3A_285 : memref<128x128xf32, #tpu.memory_space<vmem>>) target(%dma_start3A_281 : memref<128x128xf32, #tpu.memory_space<hbm>>) target_semaphore(%arg8 : memref<!tpu.dma_semaphore, #tpu.memory_space<semaphore_mem>>)
    %multiple_of3A_286 = arith.constant 5632 : i32
    %multiple_of3A_287 = tpu.assume_multiple %multiple_of3A_286, 8 : i32
    %add3A_288 = arith.addi %mul3A_2, %multiple_of3A_287 : i32
    %dma_wait3A_289 = arith.constant 2 : i32
    %dma_wait3A_290 = arith.constant 0 : i32
    %dma_wait3A_291 = arith.constant 0 : i32
    %dma_wait3A_292 = tpu.memref_slice %arg6[%dma_wait3A_289, %dma_wait3A_290, %dma_wait3A_291] : memref<6x128x128xf32, #tpu.memory_space<vmem>> -> memref<1x128x128xf32, #tpu.memory_space<vmem>>
    %dma_wait3A_293 = tpu.memref_squeeze %dma_wait3A_292 : memref<1x128x128xf32, #tpu.memory_space<vmem>> -> memref<128x128xf32, #tpu.memory_space<vmem>>
    %dma_wait3A_294 = arith.constant 0 : i32
    %dma_wait3A_295 = tpu.memref_slice %arg4[%add3A_288, %dma_wait3A_294] : memref<204800x128xf32, #tpu.memory_space<hbm>> -> memref<128x128xf32, #tpu.memory_space<hbm>>
    %dma_wait3A_296 = arith.constant 0 : i32
    %dma_wait3A_297 = tpu.memref_slice %arg4[%add3A_288, %dma_wait3A_296] : memref<204800x128xf32, #tpu.memory_space<hbm>> -> memref<128x128xf32, #tpu.memory_space<hbm>>
    %dma_wait3A_298 = arith.constant 0 : i32
    %dma_wait3A_299 = arith.constant 0 : i32
    %dma_wait3A_300 = tpu.memref_slice %arg6[%dma_wait3A_289, %dma_wait3A_298, %dma_wait3A_299] : memref<6x128x128xf32, #tpu.memory_space<vmem>> -> memref<1x128x128xf32, #tpu.memory_space<vmem>>
    %dma_wait3A_301 = tpu.memref_squeeze %dma_wait3A_300 : memref<1x128x128xf32, #tpu.memory_space<vmem>> -> memref<128x128xf32, #tpu.memory_space<vmem>>
    tpu.wait_dma2 semaphore(%arg8 : memref<!tpu.dma_semaphore, #tpu.memory_space<semaphore_mem>>) src(%dma_wait3A_301 : memref<128x128xf32, #tpu.memory_space<vmem>>) dst(%dma_wait3A_297 : memref<128x128xf32, #tpu.memory_space<hbm>>)
    %multiple_of3A_302 = arith.constant 6144 : i32
    %multiple_of3A_303 = tpu.assume_multiple %multiple_of3A_302, 8 : i32
    %dma_wait3A_304 = arith.constant 0 : i32
    %dma_wait3A_305 = arith.constant 0 : i32
    %dma_wait3A_306 = arith.constant 0 : i32
    %dma_wait3A_307 = tpu.memref_slice %arg6[%dma_wait3A_304, %dma_wait3A_305, %dma_wait3A_306] : memref<6x128x128xf32, #tpu.memory_space<vmem>> -> memref<1x128x128xf32, #tpu.memory_space<vmem>>
    %dma_wait3A_308 = tpu.memref_squeeze %dma_wait3A_307 : memref<1x128x128xf32, #tpu.memory_space<vmem>> -> memref<128x128xf32, #tpu.memory_space<vmem>>
    %dma_wait3A_309 = tpu.memref_slice %arg5[%multiple_of3A_303] : memref<6400xi32, #tpu.memory_space<vmem>> -> memref<128xi32, #tpu.memory_space<vmem>>
    %dma_wait3A_310 = arith.constant 0 : i32
    %dma_wait3A_311 = arith.constant 0 : i32
    %dma_wait3A_312 = tpu.memref_slice %arg2[%dma_wait3A_310, %dma_wait3A_311] : memref<100000x128xf32, #tpu.memory_space<hbm>> -> memref<100000x128xf32, #tpu.memory_space<hbm>>
    tpu.wait_indirect_dma semaphore(%arg7 : memref<!tpu.dma_semaphore, #tpu.memory_space<semaphore_mem>>) src(%dma_wait3A_312 : memref<100000x128xf32, #tpu.memory_space<hbm>>) dst(%dma_wait3A_308 : memref<128x128xf32, #tpu.memory_space<vmem>>)
    %multiple_of3A_313 = arith.constant 6144 : i32
    %multiple_of3A_314 = tpu.assume_multiple %multiple_of3A_313, 8 : i32
    %add3A_315 = arith.addi %mul3A_2, %multiple_of3A_314 : i32
    %dma_start3A_316 = arith.constant 0 : i32
    %dma_start3A_317 = arith.constant 0 : i32
    %dma_start3A_318 = arith.constant 0 : i32
    %dma_start3A_319 = tpu.memref_slice %arg6[%dma_start3A_316, %dma_start3A_317, %dma_start3A_318] : memref<6x128x128xf32, #tpu.memory_space<vmem>> -> memref<1x128x128xf32, #tpu.memory_space<vmem>>
    %dma_start3A_320 = tpu.memref_squeeze %dma_start3A_319 : memref<1x128x128xf32, #tpu.memory_space<vmem>> -> memref<128x128xf32, #tpu.memory_space<vmem>>
    %dma_start3A_321 = arith.constant 0 : i32
    %dma_start3A_322 = tpu.memref_slice %arg4[%add3A_315, %dma_start3A_321] : memref<204800x128xf32, #tpu.memory_space<hbm>> -> memref<128x128xf32, #tpu.memory_space<hbm>>
    %dma_start3A_323 = arith.constant 0 : i32
    %dma_start3A_324 = tpu.memref_slice %arg4[%add3A_315, %dma_start3A_323] : memref<204800x128xf32, #tpu.memory_space<hbm>> -> memref<128x128xf32, #tpu.memory_space<hbm>>
    %dma_start3A_325 = arith.constant 0 : i32
    %dma_start3A_326 = arith.constant 0 : i32
    %dma_start3A_327 = tpu.memref_slice %arg6[%dma_start3A_316, %dma_start3A_325, %dma_start3A_326] : memref<6x128x128xf32, #tpu.memory_space<vmem>> -> memref<1x128x128xf32, #tpu.memory_space<vmem>>
    %dma_start3A_328 = tpu.memref_squeeze %dma_start3A_327 : memref<1x128x128xf32, #tpu.memory_space<vmem>> -> memref<128x128xf32, #tpu.memory_space<vmem>>
    tpu.enqueue_dma source(%dma_start3A_328 : memref<128x128xf32, #tpu.memory_space<vmem>>) target(%dma_start3A_324 : memref<128x128xf32, #tpu.memory_space<hbm>>) target_semaphore(%arg8 : memref<!tpu.dma_semaphore, #tpu.memory_space<semaphore_mem>>)
    %multiple_of3A_329 = arith.constant 5760 : i32
    %multiple_of3A_330 = tpu.assume_multiple %multiple_of3A_329, 8 : i32
    %add3A_331 = arith.addi %mul3A_2, %multiple_of3A_330 : i32
    %dma_wait3A_332 = arith.constant 3 : i32
    %dma_wait3A_333 = arith.constant 0 : i32
    %dma_wait3A_334 = arith.constant 0 : i32
    %dma_wait3A_335 = tpu.memref_slice %arg6[%dma_wait3A_332, %dma_wait3A_333, %dma_wait3A_334] : memref<6x128x128xf32, #tpu.memory_space<vmem>> -> memref<1x128x128xf32, #tpu.memory_space<vmem>>
    %dma_wait3A_336 = tpu.memref_squeeze %dma_wait3A_335 : memref<1x128x128xf32, #tpu.memory_space<vmem>> -> memref<128x128xf32, #tpu.memory_space<vmem>>
    %dma_wait3A_337 = arith.constant 0 : i32
    %dma_wait3A_338 = tpu.memref_slice %arg4[%add3A_331, %dma_wait3A_337] : memref<204800x128xf32, #tpu.memory_space<hbm>> -> memref<128x128xf32, #tpu.memory_space<hbm>>
    %dma_wait3A_339 = arith.constant 0 : i32
    %dma_wait3A_340 = tpu.memref_slice %arg4[%add3A_331, %dma_wait3A_339] : memref<204800x128xf32, #tpu.memory_space<hbm>> -> memref<128x128xf32, #tpu.memory_space<hbm>>
    %dma_wait3A_341 = arith.constant 0 : i32
    %dma_wait3A_342 = arith.constant 0 : i32
    %dma_wait3A_343 = tpu.memref_slice %arg6[%dma_wait3A_332, %dma_wait3A_341, %dma_wait3A_342] : memref<6x128x128xf32, #tpu.memory_space<vmem>> -> memref<1x128x128xf32, #tpu.memory_space<vmem>>
    %dma_wait3A_344 = tpu.memref_squeeze %dma_wait3A_343 : memref<1x128x128xf32, #tpu.memory_space<vmem>> -> memref<128x128xf32, #tpu.memory_space<vmem>>
    tpu.wait_dma2 semaphore(%arg8 : memref<!tpu.dma_semaphore, #tpu.memory_space<semaphore_mem>>) src(%dma_wait3A_344 : memref<128x128xf32, #tpu.memory_space<vmem>>) dst(%dma_wait3A_340 : memref<128x128xf32, #tpu.memory_space<hbm>>)
    %multiple_of3A_345 = arith.constant 6272 : i32
    %multiple_of3A_346 = tpu.assume_multiple %multiple_of3A_345, 8 : i32
    %dma_wait3A_347 = arith.constant 1 : i32
    %dma_wait3A_348 = arith.constant 0 : i32
    %dma_wait3A_349 = arith.constant 0 : i32
    %dma_wait3A_350 = tpu.memref_slice %arg6[%dma_wait3A_347, %dma_wait3A_348, %dma_wait3A_349] : memref<6x128x128xf32, #tpu.memory_space<vmem>> -> memref<1x128x128xf32, #tpu.memory_space<vmem>>
    %dma_wait3A_351 = tpu.memref_squeeze %dma_wait3A_350 : memref<1x128x128xf32, #tpu.memory_space<vmem>> -> memref<128x128xf32, #tpu.memory_space<vmem>>
    %dma_wait3A_352 = tpu.memref_slice %arg5[%multiple_of3A_346] : memref<6400xi32, #tpu.memory_space<vmem>> -> memref<128xi32, #tpu.memory_space<vmem>>
    %dma_wait3A_353 = arith.constant 0 : i32
    %dma_wait3A_354 = arith.constant 0 : i32
    %dma_wait3A_355 = tpu.memref_slice %arg2[%dma_wait3A_353, %dma_wait3A_354] : memref<100000x128xf32, #tpu.memory_space<hbm>> -> memref<100000x128xf32, #tpu.memory_space<hbm>>
    tpu.wait_indirect_dma semaphore(%arg7 : memref<!tpu.dma_semaphore, #tpu.memory_space<semaphore_mem>>) src(%dma_wait3A_355 : memref<100000x128xf32, #tpu.memory_space<hbm>>) dst(%dma_wait3A_351 : memref<128x128xf32, #tpu.memory_space<vmem>>)
    %multiple_of3A_356 = arith.constant 6272 : i32
    %multiple_of3A_357 = tpu.assume_multiple %multiple_of3A_356, 8 : i32
    %add3A_358 = arith.addi %mul3A_2, %multiple_of3A_357 : i32
    %dma_start3A_359 = arith.constant 1 : i32
    %dma_start3A_360 = arith.constant 0 : i32
    %dma_start3A_361 = arith.constant 0 : i32
    %dma_start3A_362 = tpu.memref_slice %arg6[%dma_start3A_359, %dma_start3A_360, %dma_start3A_361] : memref<6x128x128xf32, #tpu.memory_space<vmem>> -> memref<1x128x128xf32, #tpu.memory_space<vmem>>
    %dma_start3A_363 = tpu.memref_squeeze %dma_start3A_362 : memref<1x128x128xf32, #tpu.memory_space<vmem>> -> memref<128x128xf32, #tpu.memory_space<vmem>>
    %dma_start3A_364 = arith.constant 0 : i32
    %dma_start3A_365 = tpu.memref_slice %arg4[%add3A_358, %dma_start3A_364] : memref<204800x128xf32, #tpu.memory_space<hbm>> -> memref<128x128xf32, #tpu.memory_space<hbm>>
    %dma_start3A_366 = arith.constant 0 : i32
    %dma_start3A_367 = tpu.memref_slice %arg4[%add3A_358, %dma_start3A_366] : memref<204800x128xf32, #tpu.memory_space<hbm>> -> memref<128x128xf32, #tpu.memory_space<hbm>>
    %dma_start3A_368 = arith.constant 0 : i32
    %dma_start3A_369 = arith.constant 0 : i32
    %dma_start3A_370 = tpu.memref_slice %arg6[%dma_start3A_359, %dma_start3A_368, %dma_start3A_369] : memref<6x128x128xf32, #tpu.memory_space<vmem>> -> memref<1x128x128xf32, #tpu.memory_space<vmem>>
    %dma_start3A_371 = tpu.memref_squeeze %dma_start3A_370 : memref<1x128x128xf32, #tpu.memory_space<vmem>> -> memref<128x128xf32, #tpu.memory_space<vmem>>
    tpu.enqueue_dma source(%dma_start3A_371 : memref<128x128xf32, #tpu.memory_space<vmem>>) target(%dma_start3A_367 : memref<128x128xf32, #tpu.memory_space<hbm>>) target_semaphore(%arg8 : memref<!tpu.dma_semaphore, #tpu.memory_space<semaphore_mem>>)
    %multiple_of3A_372 = arith.constant 5888 : i32
    %multiple_of3A_373 = tpu.assume_multiple %multiple_of3A_372, 8 : i32
    %add3A_374 = arith.addi %mul3A_2, %multiple_of3A_373 : i32
    %dma_wait3A_375 = arith.constant 4 : i32
    %dma_wait3A_376 = arith.constant 0 : i32
    %dma_wait3A_377 = arith.constant 0 : i32
    %dma_wait3A_378 = tpu.memref_slice %arg6[%dma_wait3A_375, %dma_wait3A_376, %dma_wait3A_377] : memref<6x128x128xf32, #tpu.memory_space<vmem>> -> memref<1x128x128xf32, #tpu.memory_space<vmem>>
    %dma_wait3A_379 = tpu.memref_squeeze %dma_wait3A_378 : memref<1x128x128xf32, #tpu.memory_space<vmem>> -> memref<128x128xf32, #tpu.memory_space<vmem>>
    %dma_wait3A_380 = arith.constant 0 : i32
    %dma_wait3A_381 = tpu.memref_slice %arg4[%add3A_374, %dma_wait3A_380] : memref<204800x128xf32, #tpu.memory_space<hbm>> -> memref<128x128xf32, #tpu.memory_space<hbm>>
    %dma_wait3A_382 = arith.constant 0 : i32
    %dma_wait3A_383 = tpu.memref_slice %arg4[%add3A_374, %dma_wait3A_382] : memref<204800x128xf32, #tpu.memory_space<hbm>> -> memref<128x128xf32, #tpu.memory_space<hbm>>
    %dma_wait3A_384 = arith.constant 0 : i32
    %dma_wait3A_385 = arith.constant 0 : i32
    %dma_wait3A_386 = tpu.memref_slice %arg6[%dma_wait3A_375, %dma_wait3A_384, %dma_wait3A_385] : memref<6x128x128xf32, #tpu.memory_space<vmem>> -> memref<1x128x128xf32, #tpu.memory_space<vmem>>
    %dma_wait3A_387 = tpu.memref_squeeze %dma_wait3A_386 : memref<1x128x128xf32, #tpu.memory_space<vmem>> -> memref<128x128xf32, #tpu.memory_space<vmem>>
    tpu.wait_dma2 semaphore(%arg8 : memref<!tpu.dma_semaphore, #tpu.memory_space<semaphore_mem>>) src(%dma_wait3A_387 : memref<128x128xf32, #tpu.memory_space<vmem>>) dst(%dma_wait3A_383 : memref<128x128xf32, #tpu.memory_space<hbm>>)
    %multiple_of3A_388 = arith.constant 6016 : i32
    %multiple_of3A_389 = tpu.assume_multiple %multiple_of3A_388, 8 : i32
    %add3A_390 = arith.addi %mul3A_2, %multiple_of3A_389 : i32
    %dma_wait3A_391 = arith.constant 5 : i32
    %dma_wait3A_392 = arith.constant 0 : i32
    %dma_wait3A_393 = arith.constant 0 : i32
    %dma_wait3A_394 = tpu.memref_slice %arg6[%dma_wait3A_391, %dma_wait3A_392, %dma_wait3A_393] : memref<6x128x128xf32, #tpu.memory_space<vmem>> -> memref<1x128x128xf32, #tpu.memory_space<vmem>>
    %dma_wait3A_395 = tpu.memref_squeeze %dma_wait3A_394 : memref<1x128x128xf32, #tpu.memory_space<vmem>> -> memref<128x128xf32, #tpu.memory_space<vmem>>
    %dma_wait3A_396 = arith.constant 0 : i32
    %dma_wait3A_397 = tpu.memref_slice %arg4[%add3A_390, %dma_wait3A_396] : memref<204800x128xf32, #tpu.memory_space<hbm>> -> memref<128x128xf32, #tpu.memory_space<hbm>>
    %dma_wait3A_398 = arith.constant 0 : i32
    %dma_wait3A_399 = tpu.memref_slice %arg4[%add3A_390, %dma_wait3A_398] : memref<204800x128xf32, #tpu.memory_space<hbm>> -> memref<128x128xf32, #tpu.memory_space<hbm>>
    %dma_wait3A_400 = arith.constant 0 : i32
    %dma_wait3A_401 = arith.constant 0 : i32
    %dma_wait3A_402 = tpu.memref_slice %arg6[%dma_wait3A_391, %dma_wait3A_400, %dma_wait3A_401] : memref<6x128x128xf32, #tpu.memory_space<vmem>> -> memref<1x128x128xf32, #tpu.memory_space<vmem>>
    %dma_wait3A_403 = tpu.memref_squeeze %dma_wait3A_402 : memref<1x128x128xf32, #tpu.memory_space<vmem>> -> memref<128x128xf32, #tpu.memory_space<vmem>>
    tpu.wait_dma2 semaphore(%arg8 : memref<!tpu.dma_semaphore, #tpu.memory_space<semaphore_mem>>) src(%dma_wait3A_403 : memref<128x128xf32, #tpu.memory_space<vmem>>) dst(%dma_wait3A_399 : memref<128x128xf32, #tpu.memory_space<hbm>>)
    %multiple_of3A_404 = arith.constant 6144 : i32
    %multiple_of3A_405 = tpu.assume_multiple %multiple_of3A_404, 8 : i32
    %add3A_406 = arith.addi %mul3A_2, %multiple_of3A_405 : i32
    %dma_wait3A_407 = arith.constant 0 : i32
    %dma_wait3A_408 = arith.constant 0 : i32
    %dma_wait3A_409 = arith.constant 0 : i32
    %dma_wait3A_410 = tpu.memref_slice %arg6[%dma_wait3A_407, %dma_wait3A_408, %dma_wait3A_409] : memref<6x128x128xf32, #tpu.memory_space<vmem>> -> memref<1x128x128xf32, #tpu.memory_space<vmem>>
    %dma_wait3A_411 = tpu.memref_squeeze %dma_wait3A_410 : memref<1x128x128xf32, #tpu.memory_space<vmem>> -> memref<128x128xf32, #tpu.memory_space<vmem>>
    %dma_wait3A_412 = arith.constant 0 : i32
    %dma_wait3A_413 = tpu.memref_slice %arg4[%add3A_406, %dma_wait3A_412] : memref<204800x128xf32, #tpu.memory_space<hbm>> -> memref<128x128xf32, #tpu.memory_space<hbm>>
    %dma_wait3A_414 = arith.constant 0 : i32
    %dma_wait3A_415 = tpu.memref_slice %arg4[%add3A_406, %dma_wait3A_414] : memref<204800x128xf32, #tpu.memory_space<hbm>> -> memref<128x128xf32, #tpu.memory_space<hbm>>
    %dma_wait3A_416 = arith.constant 0 : i32
    %dma_wait3A_417 = arith.constant 0 : i32
    %dma_wait3A_418 = tpu.memref_slice %arg6[%dma_wait3A_407, %dma_wait3A_416, %dma_wait3A_417] : memref<6x128x128xf32, #tpu.memory_space<vmem>> -> memref<1x128x128xf32, #tpu.memory_space<vmem>>
    %dma_wait3A_419 = tpu.memref_squeeze %dma_wait3A_418 : memref<1x128x128xf32, #tpu.memory_space<vmem>> -> memref<128x128xf32, #tpu.memory_space<vmem>>
    tpu.wait_dma2 semaphore(%arg8 : memref<!tpu.dma_semaphore, #tpu.memory_space<semaphore_mem>>) src(%dma_wait3A_419 : memref<128x128xf32, #tpu.memory_space<vmem>>) dst(%dma_wait3A_415 : memref<128x128xf32, #tpu.memory_space<hbm>>)
    %multiple_of3A_420 = arith.constant 6272 : i32
    %multiple_of3A_421 = tpu.assume_multiple %multiple_of3A_420, 8 : i32
    %add3A_422 = arith.addi %mul3A_2, %multiple_of3A_421 : i32
    %dma_wait3A_423 = arith.constant 1 : i32
    %dma_wait3A_424 = arith.constant 0 : i32
    %dma_wait3A_425 = arith.constant 0 : i32
    %dma_wait3A_426 = tpu.memref_slice %arg6[%dma_wait3A_423, %dma_wait3A_424, %dma_wait3A_425] : memref<6x128x128xf32, #tpu.memory_space<vmem>> -> memref<1x128x128xf32, #tpu.memory_space<vmem>>
    %dma_wait3A_427 = tpu.memref_squeeze %dma_wait3A_426 : memref<1x128x128xf32, #tpu.memory_space<vmem>> -> memref<128x128xf32, #tpu.memory_space<vmem>>
    %dma_wait3A_428 = arith.constant 0 : i32
    %dma_wait3A_429 = tpu.memref_slice %arg4[%add3A_422, %dma_wait3A_428] : memref<204800x128xf32, #tpu.memory_space<hbm>> -> memref<128x128xf32, #tpu.memory_space<hbm>>
    %dma_wait3A_430 = arith.constant 0 : i32
    %dma_wait3A_431 = tpu.memref_slice %arg4[%add3A_422, %dma_wait3A_430] : memref<204800x128xf32, #tpu.memory_space<hbm>> -> memref<128x128xf32, #tpu.memory_space<hbm>>
    %dma_wait3A_432 = arith.constant 0 : i32
    %dma_wait3A_433 = arith.constant 0 : i32
    %dma_wait3A_434 = tpu.memref_slice %arg6[%dma_wait3A_423, %dma_wait3A_432, %dma_wait3A_433] : memref<6x128x128xf32, #tpu.memory_space<vmem>> -> memref<1x128x128xf32, #tpu.memory_space<vmem>>
    %dma_wait3A_435 = tpu.memref_squeeze %dma_wait3A_434 : memref<1x128x128xf32, #tpu.memory_space<vmem>> -> memref<128x128xf32, #tpu.memory_space<vmem>>
    tpu.wait_dma2 semaphore(%arg8 : memref<!tpu.dma_semaphore, #tpu.memory_space<semaphore_mem>>) src(%dma_wait3A_435 : memref<128x128xf32, #tpu.memory_space<vmem>>) dst(%dma_wait3A_431 : memref<128x128xf32, #tpu.memory_space<hbm>>)
    return
  }
}

</mosaic_0001>

<sc_bundles>
// kernel: kernel.3.cloned.1.call-start
scs
__scs_entry_jumppad:
0x0: {  	(pc) =	sbr.rel $0x88, $3  }
0x1: {  	(tag) =	ssettag $0x0;
	lr =	simm.s32 $0x1  }
0x2: {  	[smem:$0x3F9F] =	sst lr;
	_ =	strace $0xD0000000  }
0x3: {  	_ = 	snop  }
0x4: {  	_ = 	snop  }
0x5: {  	_ = 	snop  }
0x6: {  	_ = 	snop  }
0x7: {  	_ = 	snop  }
__scs_overlays_trampoline_lowered:
0x8: {  	[smem:$0x3FAE] =	sst s0  }
0x9: {  	[smem:$0x3FAF] =	sst s1  }
0xa: {  	[smem:$0x3FB0] =	sst s2  }
0xb: {  	[smem:$0x3FB1] =	sst s3  }
0xc: {  	[smem:$0x3FB2] =	sst s4  }
0xd: {  	[smem:$0x3FB3] =	sst s5  }
0xe: {  	[smem:$0x3FB4] =	sst s6  }
0xf: {  	[smem:$0x3FB5] =	sst s7  }
0x10: {  	[smem:$0x3FB6] =	sst s8  }
0x11: {  	[smem:$0x3FB7] =	sst s9;
	s0 =	simm.s32 @!p0 $0x0  }
0x12: {  	s1 =	sld [smem:$0x3F9D];
	s0 =	simm.s32 @p0 $0x1  }
0x13: {  	[smem:$0x3FB8] =	sst s0;
	s0 =	simm.s32 @!p1 $0x0  }
0x14: {  	s2 =	sld [smem:$0x3F9C];
	s0 =	simm.s32 @p1 $0x1  }
0x15: {  	[smem:$0x3FB9] =	sst s0;
	s0 =	simm.s32 @!p2 $0x0  }
0x16: {  	s3 =	sld [smem:$0x3FDB];
	s0 =	simm.s32 @p2 $0x1  }
0x17: {  	s4 =	simm.s32 $0x1BF5;
	[smem:$0x3FBB] =	sst s0  }
0x18: {  	s0 =	sld [smem:$0x3F9E];
	_ =	swait.ge [sflag:s4], $0x0  }
0x19: {  	s7 =	sld [smem:$0x3F9F]  }
0x1a: {  	s8 =	sadd.s32 $0xFFFFE003, lr  }
0x1b: {  	s9 =	sadd.s32 $0xFFFFFEF7, lr;
	s5 =	simm.s32 $0xFFFFFFFF;
	p2 =	slt.u32 s8, $0xFFFFF086  }
0x1c: {  	p1 =	slt.u32 s9, $0xF7A;
	s5 =	simm.s32 @!p2 $0x0  }
0x1d: {  	s5 =	simm.s32 @p1 $0x1;
	p0 =	seq.s32 s7, s2  }
0x1e: {  	s7 =	smul.u32 @!p0 $0xF7A, s2;
	p2 =	seq.s32 @!p0 s5, $0x0  }
0x1f: {  	s9 =	smul.u32 $0xF7A, s1;
	s8 =	simm.s32 @!p0 $0x1BF5;
	p2 =	por !p2, p0  }
0x20: {  	[sflag:s8] =	ssyncset.s32 @!p0 $0xFFFFF086;
	s6 =	sadd.s32 @!p0 s3, s7;
	s7 =	simm.s32 @!p0 $0x108  }
0x21: {  	s3 =	sadd.s32 s3, s9;
	s6 =	sadd.s32 @!p0 $0x88, s6;
	s7 =	simm.s32 @p2 $0x1082  }
0x22: {  	[simem:s7], [sflag:s8] =	dma.local @!p0 [hbm:s6], $0xF7A  }
0x23: {  	s9 =	sor.u32 $0xD0000000, s2;
	s6 =	simm.s32 $0x108;
	_ =	swait.ge @!p0 [sflag:s8], $0x0  }
0x24: {  	s3 =	sadd.s32 $0x88, s3;
	s6 =	simm.s32 @!p1 $0x1082;
	[sflag:s4] =	ssyncset.s32 $0xFFFFF086  }
0x25: {  	[simem:s6], [sflag:s4] =	dma.local [hbm:s3], $0xF7A  }
0x26: {  	[smem:$0x3F9F] =	sst s1;
	(tag) =	ssettag s2;
	_ =	strace s9  }
0x27: {  	s1 =	sld [smem:$0x3FAF]  }
0x28: {  	s2 =	sld [smem:$0x3FB0]  }
0x29: {  	s4 =	sld [smem:$0x3FB2]  }
0x2a: {  	p0 =	seq.s32 s5, $0x0;
	s5 =	sld [smem:$0x3FB3]  }
0x2b: {  	s6 =	sld [smem:$0x3FB4]  }
0x2c: {  	s7 =	sld [smem:$0x3FB5]  }
0x2d: {  	s3 =	simm.s32 $0x108;
	s8 =	sld [smem:$0x3FB6]  }
0x2e: {  	s3 =	simm.s32 @!p0 $0x1082;
	s9 =	sld [smem:$0x3FB7]  }
0x2f: {  	lr =	sadd.s32 s0, s3;
	s0 =	sld [smem:$0x3FAE]  }
0x30: {  	s3 =	sld [smem:$0x3FB1]  }
0x31: {  	[smem:$0x3FBA] =	sst s10  }
0x32: {  	s10 =	sld [smem:$0x3FB8];
	_ =	sdelay $0x3  }
0x33: {  	p0 =	seq.s32 s10, $0x1;
	s10 =	sld [smem:$0x3FBA];
	_ =	sdelay $0x3  }
0x34: {  	[smem:$0x3FBA] =	sst s10  }
0x35: {  	s10 =	sld [smem:$0x3FB9];
	_ =	sdelay $0x3  }
0x36: {  	p1 =	seq.s32 s10, $0x1;
	s10 =	sld [smem:$0x3FBA];
	_ =	sdelay $0x3  }
0x37: {  	[smem:$0x3FBA] =	sst s10  }
0x38: {  	s10 =	sld [smem:$0x3FBB]  }
0x39: {  	_ = 	snop;
	(pc) =	sbr.ind lr, $3  }
0x3a: {  	_ = 	snop  }
0x3b: {  	_ = 	snop  }
0x3c: {  	p2 =	seq.s32 s10, $0x1;
	s10 =	sld [smem:$0x3FBA]  }
0x3d: {  	_ =	shalt  }
0x3e: {  	_ =	shalt  }
0x3f: {  	_ =	shalt  }
0x40: {  	_ =	shalt  }
0x41: {  	_ =	shalt  }
0x42: {  	_ =	shalt  }
0x43: {  	_ =	shalt  }
0x44: {  	_ =	shalt  }
0x45: {  	_ =	shalt  }
0x46: {  	_ =	shalt  }
0x47: {  	_ =	shalt  }
0x48: {  	_ =	shalt  }
0x49: {  	_ =	shalt  }
0x4a: {  	_ =	shalt  }
0x4b: {  	_ =	shalt  }
0x4c: {  	_ =	shalt  }
0x4d: {  	_ =	shalt  }
0x4e: {  	_ =	shalt  }
0x4f: {  	_ =	shalt  }
0x50: {  	_ =	shalt  }
0x51: {  	_ =	shalt  }
0x52: {  	_ =	shalt  }
0x53: {  	_ =	shalt  }
0x54: {  	_ =	shalt  }
0x55: {  	_ =	shalt  }
0x56: {  	_ =	shalt  }
0x57: {  	_ =	shalt  }
0x58: {  	_ =	shalt  }
0x59: {  	_ =	shalt  }
0x5a: {  	_ =	shalt  }
0x5b: {  	_ =	shalt  }
0x5c: {  	_ =	shalt  }
0x5d: {  	_ =	shalt  }
0x5e: {  	_ =	shalt  }
0x5f: {  	_ =	shalt  }
0x60: {  	_ =	shalt  }
0x61: {  	_ =	shalt  }
0x62: {  	_ =	shalt  }
0x63: {  	_ =	shalt  }
0x64: {  	_ =	shalt  }
0x65: {  	_ =	shalt  }
0x66: {  	_ =	shalt  }
0x67: {  	_ =	shalt  }
0x68: {  	_ =	shalt  }
0x69: {  	_ =	shalt  }
0x6a: {  	_ =	shalt  }
0x6b: {  	_ =	shalt  }
0x6c: {  	_ =	shalt  }
0x6d: {  	_ =	shalt  }
0x6e: {  	_ =	shalt  }
0x6f: {  	_ =	shalt  }
0x70: {  	_ =	shalt  }
0x71: {  	_ =	shalt  }
0x72: {  	_ =	shalt  }
0x73: {  	_ =	shalt  }
0x74: {  	_ =	shalt  }
0x75: {  	_ =	shalt  }
0x76: {  	_ =	shalt  }
0x77: {  	_ =	shalt  }
0x78: {  	_ =	shalt  }
0x79: {  	_ =	shalt  }
0x7a: {  	_ =	shalt  }
0x7b: {  	_ =	shalt  }
0x7c: {  	_ =	shalt  }
0x7d: {  	_ =	shalt  }
0x7e: {  	_ =	shalt  }
0x7f: {  	_ =	shalt  }
0x80: {  	_ =	shalt  }
0x81: {  	_ =	shalt  }
0x82: {  	_ =	shalt  }
0x83: {  	_ =	shalt  }
0x84: {  	_ =	shalt  }
0x85: {  	_ =	shalt  }
0x86: {  	_ =	shalt  }
0x87: {  	_ =	shalt  }
.Lfunc_end0:
.L_simem_size_0:
called_computation_lowered:
.L_overlay_start_0:
0x88: {  	s2 =	sld [smem:$0x3FD9]  }
0x89: {  	s3 =	sld [smem:$0x3FFE];
	_ =	sdelay $0x1  }
0x8a: {  	s1 =	srdreg.scid  }
0x8b: {  	s0 =	sand.u32 $0x1, s1  }
0x8c: {  	s17 =	sshll.u32 s0, $0xA;
	s2 =	sadd.s32 s3, s2  }
0x8d: {  	s2 =	sadd.s32 s2, s17  }
0x8e: {  	[smem:$0x3FC6] =	sst s2  }
0x8f: {  	_ = 	snop  }
0x90: {  	s2 =	sld [smem:$0x3FC9]  }
0x91: {  	s18 =	sld [smem:$0x3FD0];
	(tm) =	ssettm $0x1  }
0x92: {  	s4 =	sld [smem:$0x3FFB];
	_ =	sdelay $0x3  }
0x93: {  	_ =	strace s4  }
0x94: {  	s4 =	sld [smem:$0x3FFC];
	_ =	sdelay $0x3  }
0x95: {  	_ =	strace s4  }
0x96: {  	s4 =	sld [smem:$0x3FFD];
	_ =	sdelay $0x3  }
0x97: {  	_ =	strace s4  }
0x98: {  	_ =	strace $0x8FFFFFFF  }
0x99: {  	s19 =	sld [smem:$0x3FDB];
	_ =	sdelay $0x1  }
0x9a: {  	s5 =	simm.s32 $_scs_section_size  }
0x9b: {  	s6 =	simm.s32 $_size__tile_overlayer_lowered;
	s7 =	simm.s32 $_tile_overlayer_lowered  }
0x9c: {  	s22 =	simm.s32 $0x1BFF;
	s21 =	sshll.u32 s7, $0x1;
	s4 =	sadd.s32 s5, s19  }
0x9d: {  	s8 =	simm.s32 $0x0;
	s20 =	sshll.u32 s6, $0x1;
	s6 =	sadd.s32 s21, s4  }
0x9e: {  	[timem:s8], [sflag:s22] =	dma.local [hbm:s6], s20  }
0x9f: {  	_ =	swait.ge [sflag:s22], s20  }
0xa0: {  	s5 =	ssub.s32 $0x0, s20;
	[sflag:s22] =	ssyncset.done $0x0  }
0xa1: {  	[sflag:s22] =	ssyncadd.s32 s5;
	_ =	sdelay $0x1  }
0xa2: {  	s23 =	simm.s32 $0x1B8B  }
0xa3: {  	_ =	swait.ge [sflag:s23], $0x1  }
0xa4: {  	[sflag:s23] =	ssyncset.done $0x0  }
0xa5: {  	s25 =	simm.s32 $0x1B8E;
	s24 =	sld [smem:$0x3FFE];
	[sflag:s23] =	ssyncadd.s32 $0xFFFFFFFF  }
0xa6: {  	s26 =	simm.s32 $execute0_lowered;
	[smem:$0x3FD2] =	sst s25  }
0xa7: {  	s6 =	sshll.u32 s26, $0x1;
	_ =	strace $0x80000046;
	[dreg:$0x1] =	wrdreg $0xFFFFFFFF  }
0xa8: {  	s28 =	simm.s32 $_size_execute0_lowered;
	s4 =	sadd.s32 s4, s6;
	[dreg:$0x0] =	wrdreg $0x0  }
0xa9: {  	s6 =	sshll.u32 s28, $0x1;
	[dreg:$0x2] =	wrdreg s4  }
0xaa: {  	[dreg:$0x3] =	wrdreg s6  }
0xab: {  	[dreg:$0x4] =	wrdreg $0xC0  }
0xac: {  	_ =	task [dreg:s8], $0x5FFFF  }
0xad: {  	[dreg:$0x1] =	wrdreg $0xFFFFFFFF  }
0xae: {  	[dreg:$0x0] =	wrdreg $0x60  }
0xaf: {  	[dreg:$0x2] =	wrdreg s2  }
0xb0: {  	[dreg:$0x3] =	wrdreg s24  }
0xb1: {  	[dreg:$0x4] =	wrdreg s18  }
0xb2: {  	[dreg:$0x5] =	wrdreg $0x9  }
0xb3: {  	_ =	task.clear_ibuf [dreg:s8], $0x6FFFF;
	_ =	strace $0x90000046  }
0xb4: {  	s29 =	simm.s32 $0x9;
	_ =	strace $0x80000048  }
0xb5: {  	_ =	swait.ge [sflag:s29], $0x1  }
0xb6: {  	[sflag:s29] =	ssyncadd.s32 $0xFFFFFFFF  }
0xb7: {  	_ =	strace $0x90000048  }
0xb8: {  	_ =	sfence  }
0xb9: {  	s30 =	sld [smem:$0x0];
	_ =	sdelay $0x2  }
0xba: {  	s31 =	sshll.u32 s1, $0xD;
	s1 =	sshrl.u32 s1, $0x2  }
0xbb: {  	s3 =	sand.u32 $0x4000, s31;
	s1 =	sadd.s32 s1, s30  }
0xbc: {  	s0 =	sor.u32 s3, s0;
	s1 =	sshll.u32 s1, $0x11  }
0xbd: {  	s0 =	sor.u32 s1, s0  }
0xbe: {  	s0 =	sadd.s32 $0x8F2B, s0  }
0xbf: {  	[sflag:s0] =	ssyncadd.remote.s32 $0x1  }
0xc0: {  	_ =	sfence.sel $0xFFFF  }
0xc1: {  	[dreg:$0x0] =	wrdreg $0xFFFFFFFF;
	(pc) =	sbr.abs _section_cstart, $3  }
0xc2: {  	[dreg:$0x1] =	wrdreg $0xFFFFFFFF  }
0xc3: {  	_ =	task.clear_ibuf [dreg:s8], $0x2FFFF;
	_ =	strace $0x9FFFFFFF  }
0xc4: {  	(tm) =	ssettm $0x7FFFFFFF  }
0xc5: {  	_ =	shalt  }
tec
execute0_lowered:
.L_overlay_start_1:
0x0: {  	(tag) =	ssettag $0x1  }
0x1: {  	s1 =	rddreg [dreg:$0x0]  }
0x2: {  	s0 =	rddreg [dreg:$0x1];
	s2 =	srdreg.scid  }
0x3: {  	s10 =	stileid.u32;
	s12 =	rddreg [dreg:$0x2]  }
0x4: {  	s3 =	simm.s32 $0x0;
	s15 =	simm.s32 $0x3;
	s16 =	simm.s32 $0x80  }
0x5: {  	s17 =	simm.s32 $0x1900;
	s18 =	simm.s32 $0x5900;
	s20 =	simm.s32 $0x9900  }
0x6: {  	s21 =	simm.s32 $0x1;
	s23 =	simm.s32 $0xD900;
	s28 =	simm.s32 $0x15900  }
0x7: {  	s29 =	simm.s32 $0x2;
	s30 =	simm.s32 $0x1800;
	s2 =	sand.u32 $0x1, s2  }
0x8: {  	s4 =	sshll.u32 s10, $0x1;
	[smem:$0x7FF] =	sst s3;
	s14 =	smul.u32 $0x32000, s10  }
0x9: {  	s4 =	sor.u32 s2, s4;
	s6 =	ssub.s32 $0x2, s2;
	s2 =	smul.u32 $0x19000, s2  }
0xa: {  	s31 =	simm.s32 $0x1880;
	_ =	strace $0x80000047;
	s5 =	smul.u32 $0x1900, s4  }
0xb: {  	s7 =	smul.u32 $0xC8000, s4;
	s8 =	sshrl.u32 s6, $0x1;
	s14 =	sadd.s32 s14, s12  }
0xc: {  	s9 =	smul.u32 $0x19000, s4;
	s13 =	ssub.s32 s6, s8;
	s26 =	sadd.s32 s2, s14  }
0xd: {  	s2 =	simm.s32 $0x0;
	s5 =	sshrl.u32 s5, $0x3;
	s24 =	sshrl.u32 s7, $0x3  }
0xe: {  	s13 =	smax.u32 s13, $0x1;
	s14 =	sadd.s32 $0x2000, s26;
	s26 =	simm.s32 $0x280  }
0xf: {  	s0 =	sadd.s32 s5, s0;
	s5 =	sadd.s32 s12, s9;
	s25 =	sadd.s32 s12, s24  }
0x10: {  	s4 =	sadd.s32 $0x400, s0;
	s6 =	sadd.s32 $0x800, s5;
	s7 =	sadd.s32 $0x1000, s25  }
0x11: {  	s8 =	sadd.s32 $0x16800, s25;
	s9 =	sadd.s32 $0x17000, s25;
	s10 =	sadd.s32 $0x17800, s25  }
0x12: {  	s11 =	sadd.s32 $0x18000, s25;
	s12 =	sadd.s32 $0x18800, s25;
	s25 =	simm.s32 $0x11900  }
.LBB2_1:
0x13: {  	[tilespmem:s3], [sflag:$0x3] =	stream.linear.gather [hbm4b:s4+s3], $0x1900, $0x38;
	[tilespmem:$0x19900] =	vst v63  }
0x14: {  	_ =	swait.ge [sflag:s15], $0x1900  }
0x15: {  	[sflag:s15] =	ssyncset.done $0x0  }
0x16: {  	[sflag:s15] =	ssyncadd.s32 $0xFFFFE700  }
0x17: {  	[tilespmem:s17], [sflag:$0x1] =	stream.indirect.gather [hbm4b:s1+s16], $0x80, s3, s16, $0xb8;
	[tilespmem:$0x19900] =	vst v63  }
0x18: {  	_ = 	snop  }
0x19: {  	[tilespmem:s18], [sflag:$0x1] =	stream.indirect.gather [hbm4b:s1+s16], $0x80, s16, s16, $0xb8;
	[tilespmem:$0x19900] =	vst v63  }
0x1a: {  	s0 =	simm.s32 $0x100  }
0x1b: {  	[tilespmem:s20], [sflag:$0x1] =	stream.indirect.gather [hbm4b:s1+s16], $0x80, s0, s16, $0xb8;
	[tilespmem:$0x19900] =	vst v63  }
0x1c: {  	_ =	swait.ge [sflag:s21], $0x4000  }
0x1d: {  	[sflag:s21] =	ssyncset.done $0x0  }
0x1e: {  	[sflag:s21] =	ssyncadd.s32 $0xFFFFC000  }
0x1f: {  	[hbm4b:s5+s3] =	stream.linear.scatter [tilespmem:s17], [sflag:$0x2], $0x4000, $0x38;
	[tilespmem:$0x19900] =	vst v63  }
0x20: {  	s19 =	simm.s32 $0x180  }
0x21: {  	[tilespmem:s23], [sflag:$0x1] =	stream.indirect.gather [hbm4b:s1+s16], $0x80, s19, s16, $0xb8;
	[tilespmem:$0x19900] =	vst v63  }
0x22: {  	_ =	swait.ge [sflag:s21], $0x4000  }
0x23: {  	[sflag:s21] =	ssyncset.done $0x0  }
0x24: {  	[sflag:s21] =	ssyncadd.s32 $0xFFFFC000  }
0x25: {  	[hbm4b:s6+s3] =	stream.linear.scatter [tilespmem:s18], [sflag:$0x2], $0x4000, $0x38;
	[tilespmem:$0x19900] =	vst v63  }
0x26: {  	s22 =	simm.s32 $0x200  }
0x27: {  	[tilespmem:s25], [sflag:$0x1] =	stream.indirect.gather [hbm4b:s1+s16], $0x80, s22, s16, $0xb8;
	[tilespmem:$0x19900] =	vst v63  }
0x28: {  	_ =	swait.ge [sflag:s21], $0x4000  }
0x29: {  	[sflag:s21] =	ssyncset.done $0x0  }
0x2a: {  	[sflag:s21] =	ssyncadd.s32 $0xFFFFC000  }
0x2b: {  	[hbm4b:s7+s3] =	stream.linear.scatter [tilespmem:s20], [sflag:$0x2], $0x4000, $0x38;
	[tilespmem:$0x19900] =	vst v63  }
0x2c: {  	_ = 	snop  }
0x2d: {  	[tilespmem:s28], [sflag:$0x1] =	stream.indirect.gather [hbm4b:s1+s16], $0x80, s26, s16, $0xb8;
	[tilespmem:$0x19900] =	vst v63  }
0x2e: {  	_ =	swait.ge [sflag:s21], $0x4000  }
0x2f: {  	[sflag:s21] =	ssyncset.done $0x0  }
0x30: {  	s24 =	sadd.s32 $0xFFFFF800, s14;
	[sflag:s21] =	ssyncadd.s32 $0xFFFFC000  }
0x31: {  	[hbm4b:s24+s3] =	stream.linear.scatter [tilespmem:s23], [sflag:$0x2], $0x4000, $0x38;
	[tilespmem:$0x19900] =	vst v63  }
0x32: {  	_ =	swait.ge [sflag:s29], $0x4000  }
0x33: {  	[sflag:s29] =	ssyncset.done $0x0  }
0x34: {  	s19 =	simm.s32 $0x300;
	[sflag:s29] =	ssyncadd.s32 $0xFFFFC000  }
0x35: {  	[tilespmem:s17], [sflag:$0x1] =	stream.indirect.gather [hbm4b:s1+s16], $0x80, s19, s16, $0xb8;
	[tilespmem:$0x19900] =	vst v63  }
0x36: {  	_ =	swait.ge [sflag:s21], $0x4000  }
0x37: {  	[sflag:s21] =	ssyncset.done $0x0  }
0x38: {  	[sflag:s21] =	ssyncadd.s32 $0xFFFFC000  }
0x39: {  	[hbm4b:s14+s3] =	stream.linear.scatter [tilespmem:s25], [sflag:$0x2], $0x4000, $0x38;
	[tilespmem:$0x19900] =	vst v63  }
0x3a: {  	_ =	swait.ge [sflag:s29], $0x4000  }
0x3b: {  	[sflag:s29] =	ssyncset.done $0x0  }
0x3c: {  	s22 =	simm.s32 $0x380;
	[sflag:s29] =	ssyncadd.s32 $0xFFFFC000  }
0x3d: {  	[tilespmem:s18], [sflag:$0x1] =	stream.indirect.gather [hbm4b:s1+s16], $0x80, s22, s16, $0xb8;
	[tilespmem:$0x19900] =	vst v63  }
0x3e: {  	_ =	swait.ge [sflag:s21], $0x4000  }
0x3f: {  	[sflag:s21] =	ssyncset.done $0x0  }
0x40: {  	s24 =	sadd.s32 $0x800, s14;
	[sflag:s21] =	ssyncadd.s32 $0xFFFFC000  }
0x41: {  	[hbm4b:s24+s3] =	stream.linear.scatter [tilespmem:s28], [sflag:$0x2], $0x4000, $0x38;
	[tilespmem:$0x19900] =	vst v63  }
0x42: {  	_ =	swait.ge [sflag:s29], $0x4000  }
0x43: {  	[sflag:s29] =	ssyncset.done $0x0  }
0x44: {  	s19 =	simm.s32 $0x400;
	[sflag:s29] =	ssyncadd.s32 $0xFFFFC000  }
0x45: {  	[tilespmem:s20], [sflag:$0x1] =	stream.indirect.gather [hbm4b:s1+s16], $0x80, s19, s16, $0xb8;
	[tilespmem:$0x19900] =	vst v63  }
0x46: {  	_ =	swait.ge [sflag:s21], $0x4000  }
0x47: {  	[sflag:s21] =	ssyncset.done $0x0  }
0x48: {  	s22 =	sadd.s32 $0x1000, s14;
	[sflag:s21] =	ssyncadd.s32 $0xFFFFC000  }
0x49: {  	[hbm4b:s22+s3] =	stream.linear.scatter [tilespmem:s17], [sflag:$0x2], $0x4000, $0x38;
	[tilespmem:$0x19900] =	vst v63  }
0x4a: {  	_ =	swait.ge [sflag:s29], $0x4000  }
0x4b: {  	[sflag:s29] =	ssyncset.done $0x0  }
0x4c: {  	s24 =	simm.s32 $0x480;
	[sflag:s29] =	ssyncadd.s32 $0xFFFFC000  }
0x4d: {  	[tilespmem:s23], [sflag:$0x1] =	stream.indirect.gather [hbm4b:s1+s16], $0x80, s24, s16, $0xb8;
	[tilespmem:$0x19900] =	vst v63  }
0x4e: {  	_ =	swait.ge [sflag:s21], $0x4000  }
0x4f: {  	[sflag:s21] =	ssyncset.done $0x0  }
0x50: {  	s19 =	sadd.s32 $0x1800, s14;
	[sflag:s21] =	ssyncadd.s32 $0xFFFFC000  }
0x51: {  	[hbm4b:s19+s3] =	stream.linear.scatter [tilespmem:s18], [sflag:$0x2], $0x4000, $0x38;
	[tilespmem:$0x19900] =	vst v63  }
0x52: {  	_ =	swait.ge [sflag:s29], $0x4000  }
0x53: {  	[sflag:s29] =	ssyncset.done $0x0  }
0x54: {  	s22 =	simm.s32 $0x500;
	[sflag:s29] =	ssyncadd.s32 $0xFFFFC000  }
0x55: {  	[tilespmem:s25], [sflag:$0x1] =	stream.indirect.gather [hbm4b:s1+s16], $0x80, s22, s16, $0xb8;
	[tilespmem:$0x19900] =	vst v63  }
0x56: {  	_ =	swait.ge [sflag:s21], $0x4000  }
0x57: {  	[sflag:s21] =	ssyncset.done $0x0  }
0x58: {  	s24 =	sadd.s32 $0x2000, s14;
	[sflag:s21] =	ssyncadd.s32 $0xFFFFC000  }
0x59: {  	[hbm4b:s24+s3] =	stream.linear.scatter [tilespmem:s20], [sflag:$0x2], $0x4000, $0x38;
	[tilespmem:$0x19900] =	vst v63  }
0x5a: {  	_ =	swait.ge [sflag:s29], $0x4000  }
0x5b: {  	s0 =	simm.s32 $0xC00;
	[sflag:s29] =	ssyncset.done $0x0  }
0x5c: {  	s19 =	sadd.s32 $0x3000, s14;
	s22 =	simm.s32 $0x580;
	[sflag:s29] =	ssyncadd.s32 $0xFFFFC000  }
.LBB2_2:
0x5d: {  	[tilespmem:s28], [sflag:$0x1] =	stream.indirect.gather [hbm4b:s1+s16], $0x80, s22, s16, $0xb8;
	[tilespmem:$0x19900] =	vst v63  }
0x5e: {  	s22 =	smov.u32 s0  }
0x5f: {  	p0 =	sne.s32 s0, $0x4800;
	s0 =	sadd.s32 $0xC00, s0;
	_ =	swait.ge [sflag:s21], $0x4000  }
0x60: {  	[sflag:s21] =	ssyncset.done $0x0  }
0x61: {  	s24 =	sadd.s32 $0xFFFFF800, s19;
	[sflag:s21] =	ssyncadd.s32 $0xFFFFC000  }
0x62: {  	[hbm4b:s24+s3] =	stream.linear.scatter [tilespmem:s23], [sflag:$0x2], $0x4000, $0x38;
	[tilespmem:$0x19900] =	vst v63  }
0x63: {  	_ =	swait.ge [sflag:s29], $0x4000  }
0x64: {  	s22 =	sshra.s32 s22, $0x2;
	[sflag:s29] =	ssyncset.done $0x0  }
0x65: {  	s24 =	sadd.s32 $0x300, s22;
	[sflag:s29] =	ssyncadd.s32 $0xFFFFC000  }
0x66: {  	[tilespmem:s17], [sflag:$0x1] =	stream.indirect.gather [hbm4b:s1+s16], $0x80, s24, s16, $0xb8;
	[tilespmem:$0x19900] =	vst v63  }
0x67: {  	_ =	swait.ge [sflag:s21], $0x4000  }
0x68: {  	[sflag:s21] =	ssyncset.done $0x0  }
0x69: {  	[sflag:s21] =	ssyncadd.s32 $0xFFFFC000  }
0x6a: {  	[hbm4b:s19+s3] =	stream.linear.scatter [tilespmem:s25], [sflag:$0x2], $0x4000, $0x38;
	[tilespmem:$0x19900] =	vst v63  }
0x6b: {  	_ =	swait.ge [sflag:s29], $0x4000  }
0x6c: {  	[sflag:s29] =	ssyncset.done $0x0  }
0x6d: {  	s24 =	sadd.s32 $0x380, s22;
	[sflag:s29] =	ssyncadd.s32 $0xFFFFC000  }
0x6e: {  	[tilespmem:s18], [sflag:$0x1] =	stream.indirect.gather [hbm4b:s1+s16], $0x80, s24, s16, $0xb8;
	[tilespmem:$0x19900] =	vst v63  }
0x6f: {  	_ =	swait.ge [sflag:s21], $0x4000  }
0x70: {  	[sflag:s21] =	ssyncset.done $0x0  }
0x71: {  	s24 =	sadd.s32 $0x800, s19;
	[sflag:s21] =	ssyncadd.s32 $0xFFFFC000  }
0x72: {  	[hbm4b:s24+s3] =	stream.linear.scatter [tilespmem:s28], [sflag:$0x2], $0x4000, $0x38;
	[tilespmem:$0x19900] =	vst v63  }
0x73: {  	_ =	swait.ge [sflag:s29], $0x4000  }
0x74: {  	[sflag:s29] =	ssyncset.done $0x0  }
0x75: {  	s24 =	sadd.s32 $0x400, s22;
	[sflag:s29] =	ssyncadd.s32 $0xFFFFC000  }
0x76: {  	[tilespmem:s20], [sflag:$0x1] =	stream.indirect.gather [hbm4b:s1+s16], $0x80, s24, s16, $0xb8;
	[tilespmem:$0x19900] =	vst v63  }
0x77: {  	_ =	swait.ge [sflag:s21], $0x4000  }
0x78: {  	[sflag:s21] =	ssyncset.done $0x0  }
0x79: {  	s24 =	sadd.s32 $0x1000, s19;
	[sflag:s21] =	ssyncadd.s32 $0xFFFFC000  }
0x7a: {  	[hbm4b:s24+s3] =	stream.linear.scatter [tilespmem:s17], [sflag:$0x2], $0x4000, $0x38;
	[tilespmem:$0x19900] =	vst v63  }
0x7b: {  	_ =	swait.ge [sflag:s29], $0x4000  }
0x7c: {  	[sflag:s29] =	ssyncset.done $0x0  }
0x7d: {  	s24 =	sadd.s32 $0x480, s22;
	[sflag:s29] =	ssyncadd.s32 $0xFFFFC000  }
0x7e: {  	[tilespmem:s23], [sflag:$0x1] =	stream.indirect.gather [hbm4b:s1+s16], $0x80, s24, s16, $0xb8;
	[tilespmem:$0x19900] =	vst v63  }
0x7f: {  	_ =	swait.ge [sflag:s21], $0x4000  }
0x80: {  	[sflag:s21] =	ssyncset.done $0x0  }
0x81: {  	s24 =	sadd.s32 $0x1800, s19;
	[sflag:s21] =	ssyncadd.s32 $0xFFFFC000  }
0x82: {  	[hbm4b:s24+s3] =	stream.linear.scatter [tilespmem:s18], [sflag:$0x2], $0x4000, $0x38;
	[tilespmem:$0x19900] =	vst v63  }
0x83: {  	_ =	swait.ge [sflag:s29], $0x4000  }
0x84: {  	[sflag:s29] =	ssyncset.done $0x0  }
0x85: {  	s24 =	sadd.s32 $0x500, s22;
	[sflag:s29] =	ssyncadd.s32 $0xFFFFC000  }
0x86: {  	[tilespmem:s25], [sflag:$0x1] =	stream.indirect.gather [hbm4b:s1+s16], $0x80, s24, s16, $0xb8;
	[tilespmem:$0x19900] =	vst v63  }
0x87: {  	_ =	swait.ge [sflag:s21], $0x4000  }
0x88: {  	[sflag:s21] =	ssyncset.done $0x0  }
.Ltmp0:
0x89: {  	s24 =	sadd.s32 $0x2000, s19;
	[sflag:s21] =	ssyncadd.s32 $0xFFFFC000;
	(pc) =	sbr.rel @p0 .LBB2_2-.Ltmp0, $4  }
0x8a: {  	[hbm4b:s24+s3] =	stream.linear.scatter [tilespmem:s20], [sflag:$0x2], $0x4000, $0x38;
	[tilespmem:$0x19900] =	vst v63  }
0x8b: {  	_ =	swait.ge [sflag:s29], $0x4000  }
0x8c: {  	[sflag:s29] =	ssyncset.done $0x0  }
0x8d: {  	s22 =	sadd.s32 $0x580, s22;
	s19 =	sadd.s32 $0x3000, s19;
	[sflag:s29] =	ssyncadd.s32 $0xFFFFC000  }
0x8e: {  	[tilespmem:s28], [sflag:$0x1] =	stream.indirect.gather [hbm4b:s1+s16], $0x80, s22, s16, $0xb8;
	[tilespmem:$0x19900] =	vst v63  }
0x8f: {  	_ =	swait.ge [sflag:s21], $0x4000  }
0x90: {  	[sflag:s21] =	ssyncset.done $0x0  }
0x91: {  	[sflag:s21] =	ssyncadd.s32 $0xFFFFC000  }
0x92: {  	[hbm4b:s8+s3] =	stream.linear.scatter [tilespmem:s23], [sflag:$0x2], $0x4000, $0x38;
	[tilespmem:$0x19900] =	vst v63  }
0x93: {  	_ =	swait.ge [sflag:s29], $0x4000  }
0x94: {  	[sflag:s29] =	ssyncset.done $0x0  }
0x95: {  	[sflag:s29] =	ssyncadd.s32 $0xFFFFC000  }
0x96: {  	[tilespmem:s17], [sflag:$0x1] =	stream.indirect.gather [hbm4b:s1+s16], $0x80, s30, s16, $0xb8;
	[tilespmem:$0x19900] =	vst v63  }
0x97: {  	_ =	swait.ge [sflag:s21], $0x4000  }
0x98: {  	[sflag:s21] =	ssyncset.done $0x0  }
0x99: {  	[sflag:s21] =	ssyncadd.s32 $0xFFFFC000  }
0x9a: {  	[hbm4b:s9+s3] =	stream.linear.scatter [tilespmem:s25], [sflag:$0x2], $0x4000, $0x38;
	[tilespmem:$0x19900] =	vst v63  }
0x9b: {  	_ =	swait.ge [sflag:s29], $0x4000  }
0x9c: {  	[sflag:s29] =	ssyncset.done $0x0  }
0x9d: {  	[sflag:s29] =	ssyncadd.s32 $0xFFFFC000  }
0x9e: {  	[tilespmem:s18], [sflag:$0x1] =	stream.indirect.gather [hbm4b:s1+s16], $0x80, s31, s16, $0xb8;
	[tilespmem:$0x19900] =	vst v63  }
0x9f: {  	_ =	swait.ge [sflag:s21], $0x4000  }
0xa0: {  	[sflag:s21] =	ssyncset.done $0x0  }
0xa1: {  	[sflag:s21] =	ssyncadd.s32 $0xFFFFC000  }
0xa2: {  	[hbm4b:s10+s3] =	stream.linear.scatter [tilespmem:s28], [sflag:$0x2], $0x4000, $0x38;
	[tilespmem:$0x19900] =	vst v63  }
0xa3: {  	_ =	swait.ge [sflag:s29], $0x4000  }
0xa4: {  	[sflag:s29] =	ssyncset.done $0x0  }
0xa5: {  	[sflag:s29] =	ssyncadd.s32 $0xFFFFC000  }
0xa6: {  	_ =	swait.ge [sflag:s21], $0x4000  }
0xa7: {  	[sflag:s21] =	ssyncset.done $0x0  }
0xa8: {  	[sflag:s21] =	ssyncadd.s32 $0xFFFFC000  }
0xa9: {  	[hbm4b:s11+s3] =	stream.linear.scatter [tilespmem:s17], [sflag:$0x2], $0x4000, $0x38;
	[tilespmem:$0x19900] =	vst v63  }
0xaa: {  	_ =	swait.ge [sflag:s29], $0x4000  }
0xab: {  	[sflag:s29] =	ssyncset.done $0x0  }
0xac: {  	[sflag:s29] =	ssyncadd.s32 $0xFFFFC000  }
0xad: {  	_ =	swait.ge [sflag:s21], $0x4000  }
0xae: {  	[sflag:s21] =	ssyncset.done $0x0  }
0xaf: {  	[sflag:s21] =	ssyncadd.s32 $0xFFFFC000  }
0xb0: {  	[hbm4b:s12+s3] =	stream.linear.scatter [tilespmem:s18], [sflag:$0x2], $0x4000, $0x38;
	[tilespmem:$0x19900] =	vst v63  }
0xb1: {  	_ =	swait.ge [sflag:s29], $0x4000  }
0xb2: {  	[sflag:s29] =	ssyncset.done $0x0  }
0xb3: {  	[sflag:s29] =	ssyncadd.s32 $0xFFFFC000  }
0xb4: {  	_ =	swait.ge [sflag:s29], $0x4000  }
0xb5: {  	[sflag:s29] =	ssyncset.done $0x0  }
0xb6: {  	s2 =	sadd.s32 $0x1, s2;
	[sflag:s29] =	ssyncadd.s32 $0xFFFFC000  }
0xb7: {  	p0 =	sne.s32 s2, s13;
	_ =	swait.ge [sflag:s29], $0x4000  }
.Ltmp1:
0xb8: {  	[sflag:s29] =	ssyncset.done $0x0;
	(pc) =	sbr.rel @p0 .LBB2_1-.Ltmp1, $4  }
0xb9: {  	[sflag:s29] =	ssyncadd.s32 $0xFFFFC000  }
0xba: {  	_ =	swait.ge [sflag:s29], $0x4000  }
0xbb: {  	[sflag:s29] =	ssyncset.done $0x0  }
0xbc: {  	[sflag:s29] =	ssyncadd.s32 $0xFFFFC000  }
0xbd: {  	_ =	sfence.sel $0x180000  }
0xbe: {  	[bflag:$0x0] =	sbarrier.arrive $0xFFFF  }
0xbf: {  	_ =	strace $0x90000047  }
0xc0: {  	s0 =	stileid.u32;
	[bflag:$0x2] =	sbarrier.arrive $0xFFFF  }
0xc1: {  	p0 =	sne.s32 s0, $0x0;
	s0 =	rddreg [dreg:$0x3]  }
0xc2: {  	s0 =	sadd.s32 @!p0 $0x100000, s0  }
0xc3: {  	[sflag:s0] =	ssyncadd.tile.s32 @!p0 $0x1;
	_ =	shalt  }
.Lfunc_end2:
_tile_overlayer_lowered:
.L_overlay_start_2:
0xc4: {  	(tag) =	ssettag $0x2  }
0xc5: {  	s0 =	rddreg [dreg:$0x0];
	s2 =	stileid.u32  }
0xc6: {  	s1 =	rddreg [dreg:$0x1];
	p0 =	sne.s32 s2, $0x0  }
0xc7: {  	s3 =	rddreg [dreg:$0x2];
	[bflag:$0x3] =	sbarrier.arrive $0xFFFF;
	s2 =	simm.s32 @!p0 $0x1C03  }
0xc8: {  	[timem:s3], [sflag:s2] =	dma.local @!p0 [hbm:s0], s1  }
0xc9: {  	s0 =	simm.s32 @!p0 $0x3  }
0xca: {  	_ =	swait.ge @!p0 [sflag:s0], s1  }
0xcb: {  	s1 =	ssub.s32 @!p0 $0x0, s1;
	[sflag:s0] =	ssyncset.done @!p0 $0x0  }
0xcc: {  	[sflag:s0] =	ssyncadd.s32 @!p0 s1  }
0xcd: {  	[bflag:$0x3] =	sbarrier.arrive $0xFFFF  }
0xce: {  	_ =	shalt  }

</sc_bundles>
